<compile_context>
chip_gen: v7x
topology: tpu7x:2x2x1
jax: 0.10.2.dev20260603
libtpu: 0.0.44.dev20260713+nightly
codegen_flags: <defaults>
</compile_context>

<pallas_src>
import functools
import math

import jax
import jax.numpy as jnp
from jax import lax
from jax.experimental import pallas as pl
from jax.experimental.pallas import tpu as pltpu
from jax.experimental.pallas import tpu_sc as plsc

B, S, D = 1, 2048, 768
E, K, M = 8, 2, 3072
N = B * S
NA = N * K
SIGMA = 1.0 / E
_INV_SQRT2 = 1.0 / math.sqrt(2.0)

T = 512
NT = NA // T
W = NT + E - 1

NW = 32
RPW = NA // NW
TPW = N // NW
_CB = 128


def _gelu(v):
    return 0.5 * v * (1.0 + lax.erf(v * _INV_SQRT2))



def _router_body(x_ref, gw_ref, noise_ref,
                 gating_ref, load_ref, p_ref, wpair_ref, coff_ref):
    x = x_ref[...]
    logits = lax.dot_general(
        x, gw_ref[...], (((1,), (0,)), ((), ())),
        preferred_element_type=jnp.float32,
    )
    m = jnp.max(logits, axis=-1, keepdims=True)
    ex = jnp.exp(logits - m)
    gating = ex / jnp.sum(ex, axis=-1, keepdims=True)
    gating_ref[...] = gating

    lane = lax.broadcasted_iota(jnp.int32, (N, E), 1)
    g1 = jnp.max(gating, axis=-1, keepdims=True)
    i1 = jnp.min(jnp.where(gating == g1, lane, E), axis=-1, keepdims=True)
    masked = jnp.where(lane == i1, -jnp.inf, gating)
    g2 = jnp.max(masked, axis=-1, keepdims=True)
    i2 = jnp.min(jnp.where(masked == g2, lane, E), axis=-1, keepdims=True)
    denom = g1 + g2 + 1e-9
    wpair_ref[...] = jnp.concatenate([g1 / denom, g2 / denom], axis=-1)

    noisy = logits + noise_ref[...]
    n1 = jnp.max(noisy, axis=-1, keepdims=True)
    j1 = jnp.min(jnp.where(noisy == n1, lane, E), axis=-1, keepdims=True)
    nmasked = jnp.where(lane == j1, -jnp.inf, noisy)
    tau = jnp.max(nmasked, axis=-1, keepdims=True)
    z = (tau - logits) / SIGMA
    load_ref[...] = 1.0 - 0.5 * (1.0 + lax.erf(z * _INV_SQRT2))

    h = jnp.where((lane == i1) | (lane == i2), 1.0, 0.0)
    r = lax.broadcasted_iota(jnp.int32, (_CB, _CB), 0)
    c = lax.broadcasted_iota(jnp.int32, (_CB, _CB), 1)
    ltri = jnp.where(c < r, 1.0, 0.0).astype(jnp.bfloat16)
    pieces = []
    run = jnp.zeros((1, E), jnp.float32)
    for b in range(N // _CB):
        hb = h[b * _CB:(b + 1) * _CB, :]
        cb = lax.dot_general(
            ltri, hb.astype(jnp.bfloat16), (((1,), (0,)), ((), ())),
            preferred_element_type=jnp.float32,
        )
        pieces.append(cb + run)
        run = run + jnp.sum(hb, axis=0, keepdims=True)
    cex = jnp.concatenate(pieces, axis=0)
    counts = run
    el = lax.broadcasted_iota(jnp.int32, (E, E), 0)
    ec = lax.broadcasted_iota(jnp.int32, (E, E), 1)
    ustri = jnp.where(el < ec, 1.0, 0.0)
    off = lax.dot_general(
        counts, ustri, (((1,), (0,)), ((), ())),
        preferred_element_type=jnp.float32,
        precision=lax.Precision.HIGHEST,
    )
    pos = off + cex
    p1 = jnp.sum(jnp.where(lane == i1, pos, 0.0), axis=-1, keepdims=True)
    p2 = jnp.sum(jnp.where(lane == i2, pos, 0.0), axis=-1, keepdims=True)
    p_ref[...] = jnp.concatenate([p1, p2], axis=-1).astype(jnp.int32)
    coff_ref[...] = jnp.concatenate([counts, off], axis=0).astype(jnp.int32)


def _router(x_flat, gate_W, noise):
    return pl.pallas_call(
        _router_body,
        out_shape=(
            jax.ShapeDtypeStruct((N, E), jnp.float32),
            jax.ShapeDtypeStruct((N, E), jnp.float32),
            jax.ShapeDtypeStruct((N, K), jnp.int32),
            jax.ShapeDtypeStruct((N, K), jnp.float32),
            jax.ShapeDtypeStruct((2, E), jnp.int32),
        ),
    )(x_flat, gate_W, noise)



def _dispatch_body(p_hbm, w_hbm, x_hbm, xs_hbm, ws_hbm,
                   pbuf, wbuf, tokbuf, lwbuf, rows, sem):
    wid = lax.axis_index("s") * 2 + lax.axis_index("c")
    base = wid * RPW
    pltpu.sync_copy(p_hbm, pbuf)
    pltpu.sync_copy(w_hbm, wbuf)
    for i in range(RPW // 16):
        tokbuf[pl.ds(i * 16, 16)] = jnp.zeros((16,), jnp.int32)

    def body(i, _):
        j0 = i * 16
        pv = pbuf[pl.ds(j0, 16)]
        idx = pv - base
        msk = (idx >= 0) & (idx < RPW)
        idx = jnp.clip(idx, 0, RPW - 1)
        tok = lax.shift_right_logical(lax.iota(jnp.int32, 16) + j0, 1)
        plsc.store_scatter(tokbuf, [idx], tok, mask=msk)
        plsc.store_scatter(lwbuf, [idx], wbuf[pl.ds(j0, 16)], mask=msk)
        return 0

    lax.fori_loop(0, NA // 16, body, 0)
    pltpu.async_copy(x_hbm.at[tokbuf], rows, sem).wait()
    pltpu.sync_copy(rows, xs_hbm.at[pl.ds(base, RPW)])
    pltpu.sync_copy(lwbuf, ws_hbm.at[pl.ds(base, RPW)])


def _dispatch(p_flat, w_flat, x_flat):
    return pl.kernel(
        _dispatch_body,
        out_type=(
            jax.ShapeDtypeStruct((NA, D), jnp.float32),
            jax.ShapeDtypeStruct((NA,), jnp.float32),
        ),
        mesh=plsc.VectorSubcoreMesh(core_axis_name="c", subcore_axis_name="s"),
        compiler_params=pltpu.CompilerParams(needs_layout_passes=False),
        scratch_types=[
            pltpu.VMEM((NA,), jnp.int32),
            pltpu.VMEM((NA,), jnp.float32),
            pltpu.VMEM((RPW,), jnp.int32),
            pltpu.VMEM((RPW,), jnp.float32),
            pltpu.VMEM((RPW, D), jnp.float32),
            pltpu.SemaphoreType.DMA,
        ],
    )(p_flat, w_flat, x_flat)



def _gmm_body(tid_ref, eid_ref, rs_ref, re_ref,
              xs_ref, w1_ref, b1_ref, w2_ref, b2_ref, ws_ref, ys_ref):
    w = pl.program_id(0)
    rs = rs_ref[w]
    re_ = re_ref[w]
    tile = tid_ref[w]
    prev_tile = tid_ref[jnp.maximum(w - 1, 0)]
    first = (w == 0) | (tile != prev_tile)

    @pl.when(rs < re_)
    def _():
        xb = xs_ref[...].astype(jnp.bfloat16)
        h = lax.dot_general(
            xb, w1_ref[0], (((1,), (0,)), ((), ())),
            preferred_element_type=jnp.float32,
        ) + b1_ref[0]
        h = _gelu(h)
        y = lax.dot_general(
            h.astype(jnp.bfloat16), w2_ref[0], (((1,), (0,)), ((), ())),
            preferred_element_type=jnp.float32,
        ) + b2_ref[0]
        y = y * ws_ref[...]
        row = tile * T + lax.broadcasted_iota(jnp.int32, (T, 1), 0)
        contrib = jnp.where((row >= rs) & (row < re_), y, 0.0)

        @pl.when(first)
        def _():
            ys_ref[...] = contrib

        @pl.when(jnp.logical_not(first))
        def _():
            ys_ref[...] = ys_ref[...] + contrib


def _gmm(tile_ids, expert_ids, rs, re_, xs, w1, b1, w2, b2, ws):
    grid_spec = pltpu.PrefetchScalarGridSpec(
        num_scalar_prefetch=4,
        grid=(W,),
        in_specs=[
            pl.BlockSpec((T, D), lambda w, tid, eid, rs, re: (tid[w], 0)),
            pl.BlockSpec((1, D, M), lambda w, tid, eid, rs, re: (eid[w], 0, 0)),
            pl.BlockSpec((1, 1, M), lambda w, tid, eid, rs, re: (eid[w], 0, 0)),
            pl.BlockSpec((1, M, D), lambda w, tid, eid, rs, re: (eid[w], 0, 0)),
            pl.BlockSpec((1, 1, D), lambda w, tid, eid, rs, re: (eid[w], 0, 0)),
            pl.BlockSpec((T, 1), lambda w, tid, eid, rs, re: (tid[w], 0)),
        ],
        out_specs=pl.BlockSpec((T, D), lambda w, tid, eid, rs, re: (tid[w], 0)),
    )
    return pl.pallas_call(
        _gmm_body,
        grid_spec=grid_spec,
        out_shape=jax.ShapeDtypeStruct((NA, D), jnp.float32),
        compiler_params=pltpu.CompilerParams(
            dimension_semantics=("arbitrary",),
        ),
    )(tile_ids, expert_ids, rs, re_, xs, w1, b1, w2, b2, ws)



def _combine_body(ys_hbm, p_hbm, out_hbm, idxbuf, rows, obuf, sem):
    wid = lax.axis_index("s") * 2 + lax.axis_index("c")
    for half in range(2):
        jbase = pl.multiple_of(wid * (2 * TPW) + half * TPW, TPW)
        obase = pl.multiple_of(wid * TPW + half * (TPW // 2), TPW // 2)
        pltpu.sync_copy(p_hbm.at[pl.ds(jbase, TPW)], idxbuf)
        pltpu.async_copy(ys_hbm.at[idxbuf], rows, sem).wait()

        def body(q, _):
            r = lax.div(q, D // 16)
            col = lax.rem(q, D // 16) * 16
            a = rows[2 * r, pl.ds(col, 16)]
            b = rows[2 * r + 1, pl.ds(col, 16)]
            obuf[r, pl.ds(col, 16)] = a + b
            return 0

        lax.fori_loop(0, (TPW // 2) * (D // 16), body, 0)
        pltpu.sync_copy(obuf, out_hbm.at[pl.ds(obase, TPW // 2)])


def _combine(ys, p_flat):
    return pl.kernel(
        _combine_body,
        out_type=jax.ShapeDtypeStruct((N, D), jnp.float32),
        mesh=plsc.VectorSubcoreMesh(core_axis_name="c", subcore_axis_name="s"),
        scratch_types=[
            pltpu.VMEM((TPW,), jnp.int32),
            pltpu.VMEM((TPW, D), jnp.float32),
            pltpu.VMEM((TPW // 2, D), jnp.float32),
            pltpu.SemaphoreType.DMA,
        ],
    )(ys, p_flat)



def _work_items(coff):
    counts = coff[0]
    start = coff[1]
    end = start + counts
    lo = jnp.arange(NT, dtype=jnp.int32)[:, None] * T
    flags = (start[None, :] < lo + T) & (end[None, :] > lo) & (counts[None, :] > 0)
    flat = flags.reshape(-1)
    order = jnp.argsort(jnp.where(flat, 0, 1), stable=True).astype(jnp.int32)
    p_total = jnp.sum(flat.astype(jnp.int32))
    iw = jnp.arange(W, dtype=jnp.int32)
    sel = order[jnp.minimum(iw, p_total - 1)]
    tile_ids = sel // E
    expert_ids = sel % E
    rs = jnp.maximum(start[expert_ids], tile_ids * T)
    re_ = jnp.minimum(end[expert_ids], (tile_ids + 1) * T)
    valid = iw < p_total
    rs = jnp.where(valid, rs, 0)
    re_ = jnp.where(valid, re_, 0)
    return tile_ids, expert_ids, rs, re_


def kernel(x, gate_W, fc1_w, fc1_b, fc2_w, fc2_b):
    x_flat = x.reshape(N, D)
    noise = jax.random.normal(jax.random.key(12345), (N, E), jnp.float32) * SIGMA
    gating, load_probs, p, wpair, coff = _router(x_flat, gate_W, noise)
    p_flat = p.reshape(NA)
    w_flat = wpair.reshape(NA)
    tile_ids, expert_ids, rs, re_ = _work_items(coff)
    tok = jnp.arange(NA, dtype=jnp.int32) // 2
    xs = jnp.zeros((NA, D), jnp.float32).at[p_flat].set(x_flat[tok])
    ws = jnp.zeros((NA,), jnp.float32).at[p_flat].set(w_flat)
    ys = _gmm(tile_ids, expert_ids, rs, re_, xs,
              fc1_w.astype(jnp.bfloat16), fc1_b.reshape(E, 1, M),
              fc2_w.astype(jnp.bfloat16), fc2_b.reshape(E, 1, D),
              ws.reshape(NA, 1))
    out = _combine(ys, p_flat)
    return out.reshape(B, S, D), gating, load_probs

# --- scband reference (transcript-rebuilt; emitter-appended) ---
"""Pipeline reference for scband-mo-elayer-21861383537416 (READ-ONLY COPY).

The authoritative reference and input builder live on the scoring server;
editing this copy changes nothing except your own understanding.
"""

import math
import jax, jax.numpy as jnp
import numpy as np

B, S, D = 1, 2048, 768
E, K, M = 8, 2, 3072


def setup_inputs(seed: int = 0) -> dict:
    key = jax.random.key(seed)
    ks = jax.random.split(key, 6)
    x = jax.random.normal(ks[0], (B, S, D), dtype=jnp.float32)
    gate_W = jax.random.normal(ks[1], (D, E), dtype=jnp.float32) * 0.02
    fc1_w = jax.random.normal(ks[2], (E, D, M), dtype=jnp.float32) * 0.02
    fc1_b = jnp.zeros((E, M), dtype=jnp.float32)
    fc2_w = jax.random.normal(ks[3], (E, M, D), dtype=jnp.float32) * 0.02
    fc2_b = jnp.zeros((E, D), dtype=jnp.float32)
    return {"x": x, "gate_W": gate_W, "fc1_w": fc1_w, "fc1_b": fc1_b, "fc2_w": fc2_w, "fc2_b": fc2_b}


def _moe_forward(x, gate_W, fc1_w, fc1_b, fc2_w, fc2_b):
    Bb, Ss, Dd = x.shape
    x_flat = x.reshape(-1, Dd)
    # TopKRouter
    logits = x_flat @ gate_W                      # (n, E)
    gating = jax.nn.softmax(logits, axis=-1)
    tk_w, tk_idx = jax.lax.top_k(gating, K)       # (n, K)
    tk_w = tk_w / (jnp.sum(tk_w, axis=-1, keepdims=True) + 1e-9)
    # noisy gating for load-loss probabilities (part of RoutingInfo)
    sigma = 1.0 / E
    noise = jax.random.normal(jax.random.key(12345), logits.shape, dtype=logits.dtype) * sigma
    noisy_logits = logits + noise
    tau_k = jax.lax.top_k(noisy_logits, K)[0][:, -1:]
    z_val = (tau_k - logits) / sigma
    load_probs = 1.0 - 0.5 * (1.0 + jax.lax.erf(z_val / math.sqrt(2.0)))
    # Expert computation. The torch loop only runs experts on active tokens;
    # here each expert runs densely but non-selected tokens carry weight 0,
    # which yields the identical output.
    out = jnp.zeros_like(x_flat)
    for e in range(E):
        w_e = jnp.sum(tk_w * (tk_idx == e).astype(x_flat.dtype), axis=-1)  # (n,)
        h = jax.nn.gelu(x_flat @ fc1_w[e] + fc1_b[e], approximate=False)
        y = h @ fc2_w[e] + fc2_b[e]
        out = out + w_e[:, None] * y
    return out.reshape(Bb, Ss, Dd), gating, load_probs


def reference(x, gate_W, fc1_w, fc1_b, fc2_w, fc2_b):
    output, gating, load_probs = _moe_forward(x, gate_W, fc1_w, fc1_b, fc2_w, fc2_b)
    return output, gating, load_probs

if __name__ == "__main__":
    import jax
    _d = setup_inputs()
    print(jax.jit(kernel)(*tuple(_d.values())))

</pallas_src>

<mosaic_0001>
#map = affine_map<(d0, d1) -> (0, 0)>
#map1 = affine_map<(d0, d1) -> (0)>
module attributes {stable_mosaic.version = 14 : i64} {
  func.func @_combine_body(%arg0: i32, %arg1: i32, %arg2: memref<4096x768xf32, #tpu.memory_space<hbm>>, %arg3: memref<4096xi32, #tpu.memory_space<hbm>>, %arg4: memref<2048x768xf32, #tpu.memory_space<hbm>>, %arg5: memref<64xi32, #tpu.memory_space<vmem>>, %arg6: memref<64x768xf32, #tpu.memory_space<vmem>>, %arg7: memref<32x768xf32, #tpu.memory_space<vmem>>, %arg8: memref<!tpu.dma_semaphore, #tpu.memory_space<semaphore_mem>>) attributes {dimension_semantics = [#tpu.dimension_semantics<core_parallel>, #tpu.dimension_semantics<subcore_parallel>], iteration_bounds = array<i64: 2, 16>, scalar_prefetch = 0 : i64, scratch_operands = 4 : i64, tpu.core_type = #tpu.core_type<sc_vector_subcore>, window_params = [{transform_indices = #map}, {transform_indices = #map1}, {transform_indices = #map}]} {
    %mul3A = arith.constant 2 : i32
    %mul3A_0 = arith.muli %arg1, %mul3A : i32
    %add3A = arith.addi %mul3A_0, %arg0 : i32
    %mul3A_1 = arith.constant 128 : i32
    %mul3A_2 = arith.muli %add3A, %mul3A_1 : i32
    %add3A_3 = arith.constant 0 : i32
    %add3A_4 = arith.addi %mul3A_2, %add3A_3 : i32
    %multiple_of3A = tpu.assume_multiple %add3A_4, 64 : i32
    %mul3A_5 = arith.constant 64 : i32
    %mul3A_6 = arith.muli %add3A, %mul3A_5 : i32
    %add3A_7 = arith.constant 0 : i32
    %add3A_8 = arith.addi %mul3A_6, %add3A_7 : i32
    %multiple_of3A_9 = tpu.assume_multiple %add3A_8, 32 : i32
    "tpu.region"() ({
      %run_scoped3A = tpu.sem_alloc : memref<!tpu.dma_semaphore, #tpu.memory_space<semaphore_mem>>
      %dma_start3A_43 = tpu.memref_slice %arg3[%multiple_of3A] : memref<4096xi32, #tpu.memory_space<hbm>> -> memref<64xi32, #tpu.memory_space<hbm>>
      %dma_start3A_44 = tpu.memref_slice %arg3[%multiple_of3A] : memref<4096xi32, #tpu.memory_space<hbm>> -> memref<64xi32, #tpu.memory_space<hbm>>
      tpu.enqueue_dma source(%dma_start3A_44 : memref<64xi32, #tpu.memory_space<hbm>>) target(%arg5 : memref<64xi32, #tpu.memory_space<vmem>>) target_semaphore(%run_scoped3A : memref<!tpu.dma_semaphore, #tpu.memory_space<semaphore_mem>>)
      %dma_wait3A_45 = tpu.memref_slice %arg3[%multiple_of3A] : memref<4096xi32, #tpu.memory_space<hbm>> -> memref<64xi32, #tpu.memory_space<hbm>>
      %dma_wait3A_46 = tpu.memref_slice %arg3[%multiple_of3A] : memref<4096xi32, #tpu.memory_space<hbm>> -> memref<64xi32, #tpu.memory_space<hbm>>
      tpu.wait_dma2 semaphore(%run_scoped3A : memref<!tpu.dma_semaphore, #tpu.memory_space<semaphore_mem>>) src(%dma_wait3A_46 : memref<64xi32, #tpu.memory_space<hbm>>) dst(%arg5 : memref<64xi32, #tpu.memory_space<vmem>>)
      tpu.yield
    }) : () -> ()
    %dma_start3A = arith.constant 0 : i32
    %dma_start3A_10 = arith.constant 0 : i32
    %dma_start3A_11 = tpu.memref_slice %arg2[%dma_start3A, %dma_start3A_10] : memref<4096x768xf32, #tpu.memory_space<hbm>> -> memref<4096x768xf32, #tpu.memory_space<hbm>>
    tpu.enqueue_indirect_dma source(%dma_start3A_11 : memref<4096x768xf32, #tpu.memory_space<hbm>>) target(%arg6 : memref<64x768xf32, #tpu.memory_space<vmem>>) offsets(%arg5 : memref<64xi32, #tpu.memory_space<vmem>>) semaphore(%arg8 : memref<!tpu.dma_semaphore, #tpu.memory_space<semaphore_mem>>)
    %dma_wait3A = arith.constant 0 : i32
    %dma_wait3A_12 = arith.constant 0 : i32
    %dma_wait3A_13 = tpu.memref_slice %arg2[%dma_wait3A, %dma_wait3A_12] : memref<4096x768xf32, #tpu.memory_space<hbm>> -> memref<4096x768xf32, #tpu.memory_space<hbm>>
    tpu.wait_indirect_dma semaphore(%arg8 : memref<!tpu.dma_semaphore, #tpu.memory_space<semaphore_mem>>) src(%dma_wait3A_13 : memref<4096x768xf32, #tpu.memory_space<hbm>>) dst(%arg6 : memref<64x768xf32, #tpu.memory_space<vmem>>)
    %scan3A = arith.constant 0 : i32
    %scan3A_14 = arith.constant 0 : i32
    %scan3A_15 = arith.constant 1536 : i32
    %scan3A_16 = arith.addi %scan3A_14, %scan3A_15 : i32
    %scan3A_17 = arith.constant 1 : i32
    %scan3A_18 = scf.for %scan3A_43 = %scan3A_14 to %scan3A_16 step %scan3A_17 iter_args(%scan3A_44 = %scan3A) -> (i32)  : i32 {
      %div3A = arith.constant 48 : i32
      %div3A_45 = arith.divsi %scan3A_43, %div3A : i32
      %rem3A = arith.constant 48 : i32
      %rem3A_46 = arith.remsi %scan3A_43, %rem3A : i32
      %mul3A_47 = arith.constant 16 : i32
      %mul3A_48 = arith.muli %rem3A_46, %mul3A_47 : i32
      %mul3A_49 = arith.constant 2 : i32
      %mul3A_50 = arith.muli %mul3A_49, %div3A_45 : i32
      %get3A = arith.index_cast %mul3A_50 : i32 to index
      %get3A_51 = arith.index_cast %mul3A_48 : i32 to index
      %get3A_52 = tpu.vector_load %arg6[%get3A, %get3A_51] {strides = array<i32>} : memref<64x768xf32, #tpu.memory_space<vmem>>, vector<1x16xf32>,
      %get3A_53 = vector.shape_cast %get3A_52 : vector<1x16xf32> to vector<16xf32>
      %mul3A_54 = arith.constant 2 : i32
      %mul3A_55 = arith.muli %mul3A_54, %div3A_45 : i32
      %add3A_56 = arith.constant 1 : i32
      %add3A_57 = arith.addi %mul3A_55, %add3A_56 : i32
      %get3A_58 = arith.index_cast %add3A_57 : i32 to index
      %get3A_59 = arith.index_cast %mul3A_48 : i32 to index
      %get3A_60 = tpu.vector_load %arg6[%get3A_58, %get3A_59] {strides = array<i32>} : memref<64x768xf32, #tpu.memory_space<vmem>>, vector<1x16xf32>,
      %get3A_61 = vector.shape_cast %get3A_60 : vector<1x16xf32> to vector<16xf32>
      %add3A_62 = arith.addf %get3A_53, %get3A_61 : vector<16xf32>
      %swap3A = arith.index_cast %div3A_45 : i32 to index
      %swap3A_63 = arith.index_cast %mul3A_48 : i32 to index
      %swap3A_64 = tpu.vector_load %arg7[%swap3A, %swap3A_63] {strides = array<i32>} : memref<32x768xf32, #tpu.memory_space<vmem>>, vector<1x16xf32>,
      %swap3A_65 = vector.shape_cast %swap3A_64 : vector<1x16xf32> to vector<16xf32>
      %swap3A_66 = vector.shape_cast %add3A_62 : vector<16xf32> to vector<1x16xf32>
      tpu.vector_store %arg7[%swap3A, %swap3A_63], %swap3A_66 {strides = array<i32>} : memref<32x768xf32, #tpu.memory_space<vmem>>, vector<1x16xf32>,
      %scan3A_67 = arith.constant 0 : i32
      scf.yield %scan3A_67 : i32
    }
    %scan3A_19 = arith.constant 1536 : i32
    "tpu.region"() ({
      %run_scoped3A = tpu.sem_alloc : memref<!tpu.dma_semaphore, #tpu.memory_space<semaphore_mem>>
      %dma_start3A_43 = arith.constant 0 : i32
      %dma_start3A_44 = tpu.memref_slice %arg4[%multiple_of3A_9, %dma_start3A_43] : memref<2048x768xf32, #tpu.memory_space<hbm>> -> memref<32x768xf32, #tpu.memory_space<hbm>>
      %dma_start3A_45 = arith.constant 0 : i32
      %dma_start3A_46 = tpu.memref_slice %arg4[%multiple_of3A_9, %dma_start3A_45] : memref<2048x768xf32, #tpu.memory_space<hbm>> -> memref<32x768xf32, #tpu.memory_space<hbm>>
      tpu.enqueue_dma source(%arg7 : memref<32x768xf32, #tpu.memory_space<vmem>>) target(%dma_start3A_46 : memref<32x768xf32, #tpu.memory_space<hbm>>) target_semaphore(%run_scoped3A : memref<!tpu.dma_semaphore, #tpu.memory_space<semaphore_mem>>)
      %dma_wait3A_47 = arith.constant 0 : i32
      %dma_wait3A_48 = tpu.memref_slice %arg4[%multiple_of3A_9, %dma_wait3A_47] : memref<2048x768xf32, #tpu.memory_space<hbm>> -> memref<32x768xf32, #tpu.memory_space<hbm>>
      %dma_wait3A_49 = arith.constant 0 : i32
      %dma_wait3A_50 = tpu.memref_slice %arg4[%multiple_of3A_9, %dma_wait3A_49] : memref<2048x768xf32, #tpu.memory_space<hbm>> -> memref<32x768xf32, #tpu.memory_space<hbm>>
      tpu.wait_dma2 semaphore(%run_scoped3A : memref<!tpu.dma_semaphore, #tpu.memory_space<semaphore_mem>>) src(%arg7 : memref<32x768xf32, #tpu.memory_space<vmem>>) dst(%dma_wait3A_50 : memref<32x768xf32, #tpu.memory_space<hbm>>)
      tpu.yield
    }) : () -> ()
    %mul3A_20 = arith.constant 128 : i32
    %mul3A_21 = arith.muli %add3A, %mul3A_20 : i32
    %add3A_22 = arith.constant 64 : i32
    %add3A_23 = arith.addi %mul3A_21, %add3A_22 : i32
    %multiple_of3A_24 = tpu.assume_multiple %add3A_23, 64 : i32
    %mul3A_25 = arith.constant 64 : i32
    %mul3A_26 = arith.muli %add3A, %mul3A_25 : i32
    %add3A_27 = arith.constant 32 : i32
    %add3A_28 = arith.addi %mul3A_26, %add3A_27 : i32
    %multiple_of3A_29 = tpu.assume_multiple %add3A_28, 32 : i32
    "tpu.region"() ({
      %run_scoped3A = tpu.sem_alloc : memref<!tpu.dma_semaphore, #tpu.memory_space<semaphore_mem>>
      %dma_start3A_43 = tpu.memref_slice %arg3[%multiple_of3A_24] : memref<4096xi32, #tpu.memory_space<hbm>> -> memref<64xi32, #tpu.memory_space<hbm>>
      %dma_start3A_44 = tpu.memref_slice %arg3[%multiple_of3A_24] : memref<4096xi32, #tpu.memory_space<hbm>> -> memref<64xi32, #tpu.memory_space<hbm>>
      tpu.enqueue_dma source(%dma_start3A_44 : memref<64xi32, #tpu.memory_space<hbm>>) target(%arg5 : memref<64xi32, #tpu.memory_space<vmem>>) target_semaphore(%run_scoped3A : memref<!tpu.dma_semaphore, #tpu.memory_space<semaphore_mem>>)
      %dma_wait3A_45 = tpu.memref_slice %arg3[%multiple_of3A_24] : memref<4096xi32, #tpu.memory_space<hbm>> -> memref<64xi32, #tpu.memory_space<hbm>>
      %dma_wait3A_46 = tpu.memref_slice %arg3[%multiple_of3A_24] : memref<4096xi32, #tpu.memory_space<hbm>> -> memref<64xi32, #tpu.memory_space<hbm>>
      tpu.wait_dma2 semaphore(%run_scoped3A : memref<!tpu.dma_semaphore, #tpu.memory_space<semaphore_mem>>) src(%dma_wait3A_46 : memref<64xi32, #tpu.memory_space<hbm>>) dst(%arg5 : memref<64xi32, #tpu.memory_space<vmem>>)
      tpu.yield
    }) : () -> ()
    %dma_start3A_30 = arith.constant 0 : i32
    %dma_start3A_31 = arith.constant 0 : i32
    %dma_start3A_32 = tpu.memref_slice %arg2[%dma_start3A_30, %dma_start3A_31] : memref<4096x768xf32, #tpu.memory_space<hbm>> -> memref<4096x768xf32, #tpu.memory_space<hbm>>
    tpu.enqueue_indirect_dma source(%dma_start3A_32 : memref<4096x768xf32, #tpu.memory_space<hbm>>) target(%arg6 : memref<64x768xf32, #tpu.memory_space<vmem>>) offsets(%arg5 : memref<64xi32, #tpu.memory_space<vmem>>) semaphore(%arg8 : memref<!tpu.dma_semaphore, #tpu.memory_space<semaphore_mem>>)
    %dma_wait3A_33 = arith.constant 0 : i32
    %dma_wait3A_34 = arith.constant 0 : i32
    %dma_wait3A_35 = tpu.memref_slice %arg2[%dma_wait3A_33, %dma_wait3A_34] : memref<4096x768xf32, #tpu.memory_space<hbm>> -> memref<4096x768xf32, #tpu.memory_space<hbm>>
    tpu.wait_indirect_dma semaphore(%arg8 : memref<!tpu.dma_semaphore, #tpu.memory_space<semaphore_mem>>) src(%dma_wait3A_35 : memref<4096x768xf32, #tpu.memory_space<hbm>>) dst(%arg6 : memref<64x768xf32, #tpu.memory_space<vmem>>)
    %scan3A_36 = arith.constant 0 : i32
    %scan3A_37 = arith.constant 0 : i32
    %scan3A_38 = arith.constant 1536 : i32
    %scan3A_39 = arith.addi %scan3A_37, %scan3A_38 : i32
    %scan3A_40 = arith.constant 1 : i32
    %scan3A_41 = scf.for %scan3A_43 = %scan3A_37 to %scan3A_39 step %scan3A_40 iter_args(%scan3A_44 = %scan3A_36) -> (i32)  : i32 {
      %div3A = arith.constant 48 : i32
      %div3A_45 = arith.divsi %scan3A_43, %div3A : i32
      %rem3A = arith.constant 48 : i32
      %rem3A_46 = arith.remsi %scan3A_43, %rem3A : i32
      %mul3A_47 = arith.constant 16 : i32
      %mul3A_48 = arith.muli %rem3A_46, %mul3A_47 : i32
      %mul3A_49 = arith.constant 2 : i32
      %mul3A_50 = arith.muli %mul3A_49, %div3A_45 : i32
      %get3A = arith.index_cast %mul3A_50 : i32 to index
      %get3A_51 = arith.index_cast %mul3A_48 : i32 to index
      %get3A_52 = tpu.vector_load %arg6[%get3A, %get3A_51] {strides = array<i32>} : memref<64x768xf32, #tpu.memory_space<vmem>>, vector<1x16xf32>,
      %get3A_53 = vector.shape_cast %get3A_52 : vector<1x16xf32> to vector<16xf32>
      %mul3A_54 = arith.constant 2 : i32
      %mul3A_55 = arith.muli %mul3A_54, %div3A_45 : i32
      %add3A_56 = arith.constant 1 : i32
      %add3A_57 = arith.addi %mul3A_55, %add3A_56 : i32
      %get3A_58 = arith.index_cast %add3A_57 : i32 to index
      %get3A_59 = arith.index_cast %mul3A_48 : i32 to index
      %get3A_60 = tpu.vector_load %arg6[%get3A_58, %get3A_59] {strides = array<i32>} : memref<64x768xf32, #tpu.memory_space<vmem>>, vector<1x16xf32>,
      %get3A_61 = vector.shape_cast %get3A_60 : vector<1x16xf32> to vector<16xf32>
      %add3A_62 = arith.addf %get3A_53, %get3A_61 : vector<16xf32>
      %swap3A = arith.index_cast %div3A_45 : i32 to index
      %swap3A_63 = arith.index_cast %mul3A_48 : i32 to index
      %swap3A_64 = tpu.vector_load %arg7[%swap3A, %swap3A_63] {strides = array<i32>} : memref<32x768xf32, #tpu.memory_space<vmem>>, vector<1x16xf32>,
      %swap3A_65 = vector.shape_cast %swap3A_64 : vector<1x16xf32> to vector<16xf32>
      %swap3A_66 = vector.shape_cast %add3A_62 : vector<16xf32> to vector<1x16xf32>
      tpu.vector_store %arg7[%swap3A, %swap3A_63], %swap3A_66 {strides = array<i32>} : memref<32x768xf32, #tpu.memory_space<vmem>>, vector<1x16xf32>,
      %scan3A_67 = arith.constant 0 : i32
      scf.yield %scan3A_67 : i32
    }
    %scan3A_42 = arith.constant 1536 : i32
    "tpu.region"() ({
      %run_scoped3A = tpu.sem_alloc : memref<!tpu.dma_semaphore, #tpu.memory_space<semaphore_mem>>
      %dma_start3A_43 = arith.constant 0 : i32
      %dma_start3A_44 = tpu.memref_slice %arg4[%multiple_of3A_29, %dma_start3A_43] : memref<2048x768xf32, #tpu.memory_space<hbm>> -> memref<32x768xf32, #tpu.memory_space<hbm>>
      %dma_start3A_45 = arith.constant 0 : i32
      %dma_start3A_46 = tpu.memref_slice %arg4[%multiple_of3A_29, %dma_start3A_45] : memref<2048x768xf32, #tpu.memory_space<hbm>> -> memref<32x768xf32, #tpu.memory_space<hbm>>
      tpu.enqueue_dma source(%arg7 : memref<32x768xf32, #tpu.memory_space<vmem>>) target(%dma_start3A_46 : memref<32x768xf32, #tpu.memory_space<hbm>>) target_semaphore(%run_scoped3A : memref<!tpu.dma_semaphore, #tpu.memory_space<semaphore_mem>>)
      %dma_wait3A_47 = arith.constant 0 : i32
      %dma_wait3A_48 = tpu.memref_slice %arg4[%multiple_of3A_29, %dma_wait3A_47] : memref<2048x768xf32, #tpu.memory_space<hbm>> -> memref<32x768xf32, #tpu.memory_space<hbm>>
      %dma_wait3A_49 = arith.constant 0 : i32
      %dma_wait3A_50 = tpu.memref_slice %arg4[%multiple_of3A_29, %dma_wait3A_49] : memref<2048x768xf32, #tpu.memory_space<hbm>> -> memref<32x768xf32, #tpu.memory_space<hbm>>
      tpu.wait_dma2 semaphore(%run_scoped3A : memref<!tpu.dma_semaphore, #tpu.memory_space<semaphore_mem>>) src(%arg7 : memref<32x768xf32, #tpu.memory_space<vmem>>) dst(%dma_wait3A_50 : memref<32x768xf32, #tpu.memory_space<hbm>>)
      tpu.yield
    }) : () -> ()
    return
  }
}

module attributes {stable_mosaic.version = 14 : i64} {
  func.func @_router_body(%arg0: memref<2048x768xf32, #tpu.memory_space<vmem>>, %arg1: memref<768x8xf32, #tpu.memory_space<vmem>>, %arg2: memref<2048x8xf32, #tpu.memory_space<vmem>>, %arg3: memref<2048x8xf32, #tpu.memory_space<vmem>>, %arg4: memref<2048x8xf32, #tpu.memory_space<vmem>>, %arg5: memref<2048x2xi32, #tpu.memory_space<vmem>>, %arg6: memref<2048x2xf32, #tpu.memory_space<vmem>>, %arg7: memref<2x8xi32, #tpu.memory_space<vmem>>) attributes {dimension_semantics = [], scalar_prefetch = 0 : i64, scratch_operands = 0 : i64, tpu.core_type = #tpu.core_type<tc>} {
    %get3A = arith.constant 0 : index
    %get3A_0 = arith.constant 0 : index
    %get3A_1 = vector.load %arg0[%get3A, %get3A_0] : memref<2048x768xf32, #tpu.memory_space<vmem>>, vector<2048x768xf32>
    %get3A_2 = arith.constant 0 : index
    %get3A_3 = arith.constant 0 : index
    %get3A_4 = vector.load %arg1[%get3A_2, %get3A_3] : memref<768x8xf32, #tpu.memory_space<vmem>>, vector<768x8xf32>
    %dot_general3A = arith.constant dense<0.000000e+00> : vector<2048x8xf32>
    %dot_general3A_5 = tpu.matmul %get3A_1, %get3A_4, %dot_general3A {dimension_numbers = #tpu.dot_dimension_numbers<[1], [0], [0], [1], [0, 0, 1, 1], [], []>, transpose_lhs_hint = false} : vector<2048x768xf32>, vector<768x8xf32>, vector<2048x8xf32> -> vector<2048x8xf32>
    %reduce_max3A = arith.constant dense<0xFF800000> : vector<2048xf32>
    %reduce_max3A_6 = vector.multi_reduction <maximumf>, %dot_general3A_5, %reduce_max3A [1] : vector<2048x8xf32> to vector<2048xf32>
    %broadcast_in_dim3A = vector.shape_cast %reduce_max3A_6 : vector<2048xf32> to vector<2048x1xf32>
    %sub3A = vector.broadcast %broadcast_in_dim3A : vector<2048x1xf32> to vector<2048x8xf32>
    %sub3A_7 = arith.subf %dot_general3A_5, %sub3A : vector<2048x8xf32>
    %exp3A = math.exp %sub3A_7 : vector<2048x8xf32>
    %reduce_sum3A = arith.constant dense<0.000000e+00> : vector<2048xf32>
    %reduce_sum3A_8 = vector.multi_reduction <add>, %exp3A, %reduce_sum3A [1] : vector<2048x8xf32> to vector<2048xf32>
    %broadcast_in_dim3A_9 = vector.shape_cast %reduce_sum3A_8 : vector<2048xf32> to vector<2048x1xf32>
    %div3A = vector.broadcast %broadcast_in_dim3A_9 : vector<2048x1xf32> to vector<2048x8xf32>
    %div3A_10 = arith.divf %exp3A, %div3A : vector<2048x8xf32>
    %swap3A = arith.constant 0 : index
    %swap3A_11 = arith.constant 0 : index
    %swap3A_12 = vector.load %arg3[%swap3A, %swap3A_11] : memref<2048x8xf32, #tpu.memory_space<vmem>>, vector<2048x8xf32>
    tpu.vector_store %arg3[%swap3A, %swap3A_11], %div3A_10 {strides = array<i32>} : memref<2048x8xf32, #tpu.memory_space<vmem>>, vector<2048x8xf32>,
    %iota3A = tpu.iota {dimensions = array<i32: 1>} : vector<2048x8xi32>
    %reduce_max3A_13 = arith.constant dense<0xFF800000> : vector<2048xf32>
    %reduce_max3A_14 = vector.multi_reduction <maximumf>, %div3A_10, %reduce_max3A_13 [1] : vector<2048x8xf32> to vector<2048xf32>
    %broadcast_in_dim3A_15 = vector.shape_cast %reduce_max3A_14 : vector<2048xf32> to vector<2048x1xf32>
    %eq3A = vector.broadcast %broadcast_in_dim3A_15 : vector<2048x1xf32> to vector<2048x8xf32>
    %eq3A_16 = arith.cmpf oeq, %div3A_10, %eq3A : vector<2048x8xf32>
    %jit3A = arith.constant 8 : i32
    %broadcast_in_dim3A_17 = vector.broadcast %jit3A : i32 to vector<2048x8xi32>
    %select_n3A = arith.select %eq3A_16, %iota3A, %broadcast_in_dim3A_17 : vector<2048x8xi1>, vector<2048x8xi32>
    %reduce_min3A = arith.constant dense<2147483647> : vector<2048xi32>
    %reduce_min3A_18 = vector.multi_reduction <minsi>, %select_n3A, %reduce_min3A [1] : vector<2048x8xi32> to vector<2048xi32>
    %broadcast_in_dim3A_19 = vector.shape_cast %reduce_min3A_18 : vector<2048xi32> to vector<2048x1xi32>
    %eq3A_20 = vector.broadcast %broadcast_in_dim3A_19 : vector<2048x1xi32> to vector<2048x8xi32>
    %eq3A_21 = arith.cmpi eq, %iota3A, %eq3A_20 : vector<2048x8xi32>
    %jit3A_22 = arith.constant 0xFF800000 : f32
    %broadcast_in_dim3A_23 = vector.broadcast %jit3A_22 : f32 to vector<2048x8xf32>
    %select_n3A_24 = arith.select %eq3A_21, %broadcast_in_dim3A_23, %div3A_10 : vector<2048x8xi1>, vector<2048x8xf32>
    %reduce_max3A_25 = arith.constant dense<0xFF800000> : vector<2048xf32>
    %reduce_max3A_26 = vector.multi_reduction <maximumf>, %select_n3A_24, %reduce_max3A_25 [1] : vector<2048x8xf32> to vector<2048xf32>
    %broadcast_in_dim3A_27 = vector.shape_cast %reduce_max3A_26 : vector<2048xf32> to vector<2048x1xf32>
    %eq3A_28 = vector.broadcast %broadcast_in_dim3A_27 : vector<2048x1xf32> to vector<2048x8xf32>
    %eq3A_29 = arith.cmpf oeq, %select_n3A_24, %eq3A_28 : vector<2048x8xf32>
    %jit3A_30 = arith.constant 8 : i32
    %broadcast_in_dim3A_31 = vector.broadcast %jit3A_30 : i32 to vector<2048x8xi32>
    %select_n3A_32 = arith.select %eq3A_29, %iota3A, %broadcast_in_dim3A_31 : vector<2048x8xi1>, vector<2048x8xi32>
    %reduce_min3A_33 = arith.constant dense<2147483647> : vector<2048xi32>
    %reduce_min3A_34 = vector.multi_reduction <minsi>, %select_n3A_32, %reduce_min3A_33 [1] : vector<2048x8xi32> to vector<2048xi32>
    %broadcast_in_dim3A_35 = vector.shape_cast %reduce_min3A_34 : vector<2048xi32> to vector<2048x1xi32>
    %add3A = arith.addf %broadcast_in_dim3A_15, %broadcast_in_dim3A_27 : vector<2048x1xf32>
    %add3A_36 = arith.constant 9.99999971E-10 : f32
    %add3A_37 = vector.broadcast %add3A_36 : f32 to vector<2048x1xf32>
    %add3A_38 = arith.addf %add3A, %add3A_37 : vector<2048x1xf32>
    %div3A_39 = arith.divf %broadcast_in_dim3A_15, %add3A_38 : vector<2048x1xf32>
    %div3A_40 = arith.divf %broadcast_in_dim3A_27, %add3A_38 : vector<2048x1xf32>
    %concatenate3A = tpu.concatenate %div3A_39, %div3A_40 in 1 : vector<2048x1xf32>, vector<2048x1xf32> -> vector<2048x2xf32>
    %swap3A_41 = arith.constant 0 : index
    %swap3A_42 = arith.constant 0 : index
    %swap3A_43 = vector.load %arg6[%swap3A_41, %swap3A_42] : memref<2048x2xf32, #tpu.memory_space<vmem>>, vector<2048x2xf32>
    tpu.vector_store %arg6[%swap3A_41, %swap3A_42], %concatenate3A {strides = array<i32>} : memref<2048x2xf32, #tpu.memory_space<vmem>>, vector<2048x2xf32>,
    %get3A_44 = arith.constant 0 : index
    %get3A_45 = arith.constant 0 : index
    %get3A_46 = vector.load %arg2[%get3A_44, %get3A_45] : memref<2048x8xf32, #tpu.memory_space<vmem>>, vector<2048x8xf32>
    %add3A_47 = arith.addf %dot_general3A_5, %get3A_46 : vector<2048x8xf32>
    %reduce_max3A_48 = arith.constant dense<0xFF800000> : vector<2048xf32>
    %reduce_max3A_49 = vector.multi_reduction <maximumf>, %add3A_47, %reduce_max3A_48 [1] : vector<2048x8xf32> to vector<2048xf32>
    %broadcast_in_dim3A_50 = vector.shape_cast %reduce_max3A_49 : vector<2048xf32> to vector<2048x1xf32>
    %eq3A_51 = vector.broadcast %broadcast_in_dim3A_50 : vector<2048x1xf32> to vector<2048x8xf32>
    %eq3A_52 = arith.cmpf oeq, %add3A_47, %eq3A_51 : vector<2048x8xf32>
    %jit3A_53 = arith.constant 8 : i32
    %broadcast_in_dim3A_54 = vector.broadcast %jit3A_53 : i32 to vector<2048x8xi32>
    %select_n3A_55 = arith.select %eq3A_52, %iota3A, %broadcast_in_dim3A_54 : vector<2048x8xi1>, vector<2048x8xi32>
    %reduce_min3A_56 = arith.constant dense<2147483647> : vector<2048xi32>
    %reduce_min3A_57 = vector.multi_reduction <minsi>, %select_n3A_55, %reduce_min3A_56 [1] : vector<2048x8xi32> to vector<2048xi32>
    %broadcast_in_dim3A_58 = vector.shape_cast %reduce_min3A_57 : vector<2048xi32> to vector<2048x1xi32>
    %eq3A_59 = vector.broadcast %broadcast_in_dim3A_58 : vector<2048x1xi32> to vector<2048x8xi32>
    %eq3A_60 = arith.cmpi eq, %iota3A, %eq3A_59 : vector<2048x8xi32>
    %jit3A_61 = arith.constant 0xFF800000 : f32
    %broadcast_in_dim3A_62 = vector.broadcast %jit3A_61 : f32 to vector<2048x8xf32>
    %select_n3A_63 = arith.select %eq3A_60, %broadcast_in_dim3A_62, %add3A_47 : vector<2048x8xi1>, vector<2048x8xf32>
    %reduce_max3A_64 = arith.constant dense<0xFF800000> : vector<2048xf32>
    %reduce_max3A_65 = vector.multi_reduction <maximumf>, %select_n3A_63, %reduce_max3A_64 [1] : vector<2048x8xf32> to vector<2048xf32>
    %broadcast_in_dim3A_66 = vector.shape_cast %reduce_max3A_65 : vector<2048xf32> to vector<2048x1xf32>
    %sub3A_67 = vector.broadcast %broadcast_in_dim3A_66 : vector<2048x1xf32> to vector<2048x8xf32>
    %sub3A_68 = arith.subf %sub3A_67, %dot_general3A_5 : vector<2048x8xf32>
    %div3A_69 = arith.constant 1.250000e-01 : f32
    %div3A_70 = vector.broadcast %div3A_69 : f32 to vector<2048x8xf32>
    %div3A_71 = arith.divf %sub3A_68, %div3A_70 : vector<2048x8xf32>
    %mul3A = arith.constant 0.707106769 : f32
    %mul3A_72 = vector.broadcast %mul3A : f32 to vector<2048x8xf32>
    %mul3A_73 = arith.mulf %div3A_71, %mul3A_72 : vector<2048x8xf32>
    %erf3A = math.erf %mul3A_73 : vector<2048x8xf32>
    %add3A_74 = arith.constant 1.000000e+00 : f32
    %add3A_75 = vector.broadcast %add3A_74 : f32 to vector<2048x8xf32>
    %add3A_76 = arith.addf %add3A_75, %erf3A : vector<2048x8xf32>
    %mul3A_77 = arith.constant 5.000000e-01 : f32
    %mul3A_78 = vector.broadcast %mul3A_77 : f32 to vector<2048x8xf32>
    %mul3A_79 = arith.mulf %mul3A_78, %add3A_76 : vector<2048x8xf32>
    %sub3A_80 = arith.constant 1.000000e+00 : f32
    %sub3A_81 = vector.broadcast %sub3A_80 : f32 to vector<2048x8xf32>
    %sub3A_82 = arith.subf %sub3A_81, %mul3A_79 : vector<2048x8xf32>
    %swap3A_83 = arith.constant 0 : index
    %swap3A_84 = arith.constant 0 : index
    %swap3A_85 = vector.load %arg4[%swap3A_83, %swap3A_84] : memref<2048x8xf32, #tpu.memory_space<vmem>>, vector<2048x8xf32>
    tpu.vector_store %arg4[%swap3A_83, %swap3A_84], %sub3A_82 {strides = array<i32>} : memref<2048x8xf32, #tpu.memory_space<vmem>>, vector<2048x8xf32>,
    %eq3A_86 = vector.broadcast %broadcast_in_dim3A_19 : vector<2048x1xi32> to vector<2048x8xi32>
    %eq3A_87 = arith.cmpi eq, %iota3A, %eq3A_86 : vector<2048x8xi32>
    %eq3A_88 = vector.broadcast %broadcast_in_dim3A_35 : vector<2048x1xi32> to vector<2048x8xi32>
    %eq3A_89 = arith.cmpi eq, %iota3A, %eq3A_88 : vector<2048x8xi32>
    %or3A = arith.ori %eq3A_87, %eq3A_89 : vector<2048x8xi1>
    %jit3A_90 = arith.constant 1.000000e+00 : f32
    %jit3A_91 = arith.constant 0.000000e+00 : f32
    %broadcast_in_dim3A_92 = vector.broadcast %jit3A_90 : f32 to vector<2048x8xf32>
    %broadcast_in_dim3A_93 = vector.broadcast %jit3A_91 : f32 to vector<2048x8xf32>
    %select_n3A_94 = arith.select %or3A, %broadcast_in_dim3A_92, %broadcast_in_dim3A_93 : vector<2048x8xi1>, vector<2048x8xf32>
    %iota3A_95 = tpu.iota {dimensions = array<i32: 0>} : vector<128x128xi32>
    %iota3A_96 = tpu.iota {dimensions = array<i32: 1>} : vector<128x128xi32>
    %lt3A = arith.cmpi slt, %iota3A_96, %iota3A_95 : vector<128x128xi32>
    %jit3A_97 = arith.constant 1.000000e+00 : f32
    %jit3A_98 = arith.constant 0.000000e+00 : f32
    %broadcast_in_dim3A_99 = vector.broadcast %jit3A_97 : f32 to vector<128x128xf32>
    %broadcast_in_dim3A_100 = vector.broadcast %jit3A_98 : f32 to vector<128x128xf32>
    %select_n3A_101 = arith.select %lt3A, %broadcast_in_dim3A_99, %broadcast_in_dim3A_100 : vector<128x128xi1>, vector<128x128xf32>
    %convert_element_type3A = arith.truncf %select_n3A_101 : vector<128x128xf32> to vector<128x128xbf16>
    %broadcast_in_dim3A_102 = arith.constant 0.000000e+00 : f32
    %broadcast_in_dim3A_103 = vector.broadcast %broadcast_in_dim3A_102 : f32 to vector<1x8xf32>
    %slice3A = vector.extract_strided_slice %select_n3A_94 {offsets = [0, 0], sizes = [128, 8], strides = [1, 1]} : vector<2048x8xf32> to vector<128x8xf32>
    %convert_element_type3A_104 = arith.truncf %slice3A : vector<128x8xf32> to vector<128x8xbf16>
    %dot_general3A_105 = arith.constant dense<0.000000e+00> : vector<128x8xf32>
    %dot_general3A_106 = tpu.matmul %convert_element_type3A, %convert_element_type3A_104, %dot_general3A_105 {dimension_numbers = #tpu.dot_dimension_numbers<[1], [0], [0], [1], [0, 0, 1, 1], [], []>, transpose_lhs_hint = false} : vector<128x128xbf16>, vector<128x8xbf16>, vector<128x8xf32> -> vector<128x8xf32>
    %add3A_107 = vector.broadcast %broadcast_in_dim3A_103 : vector<1x8xf32> to vector<128x8xf32>
    %add3A_108 = arith.addf %dot_general3A_106, %add3A_107 : vector<128x8xf32>
    %reduce_sum3A_109 = arith.constant dense<0.000000e+00> : vector<8xf32>
    %reduce_sum3A_110 = vector.multi_reduction <add>, %slice3A, %reduce_sum3A_109 [0] : vector<128x8xf32> to vector<8xf32>
    %broadcast_in_dim3A_111 = vector.shape_cast %reduce_sum3A_110 : vector<8xf32> to vector<1x8xf32>
    %add3A_112 = arith.addf %broadcast_in_dim3A_103, %broadcast_in_dim3A_111 : vector<1x8xf32>
    %slice3A_113 = vector.extract_strided_slice %select_n3A_94 {offsets = [128, 0], sizes = [128, 8], strides = [1, 1]} : vector<2048x8xf32> to vector<128x8xf32>
    %convert_element_type3A_114 = arith.truncf %slice3A_113 : vector<128x8xf32> to vector<128x8xbf16>
    %dot_general3A_115 = arith.constant dense<0.000000e+00> : vector<128x8xf32>
    %dot_general3A_116 = tpu.matmul %convert_element_type3A, %convert_element_type3A_114, %dot_general3A_115 {dimension_numbers = #tpu.dot_dimension_numbers<[1], [0], [0], [1], [0, 0, 1, 1], [], []>, transpose_lhs_hint = false} : vector<128x128xbf16>, vector<128x8xbf16>, vector<128x8xf32> -> vector<128x8xf32>
    %add3A_117 = vector.broadcast %add3A_112 : vector<1x8xf32> to vector<128x8xf32>
    %add3A_118 = arith.addf %dot_general3A_116, %add3A_117 : vector<128x8xf32>
    %reduce_sum3A_119 = arith.constant dense<0.000000e+00> : vector<8xf32>
    %reduce_sum3A_120 = vector.multi_reduction <add>, %slice3A_113, %reduce_sum3A_119 [0] : vector<128x8xf32> to vector<8xf32>
    %broadcast_in_dim3A_121 = vector.shape_cast %reduce_sum3A_120 : vector<8xf32> to vector<1x8xf32>
    %add3A_122 = arith.addf %add3A_112, %broadcast_in_dim3A_121 : vector<1x8xf32>
    %slice3A_123 = vector.extract_strided_slice %select_n3A_94 {offsets = [256, 0], sizes = [128, 8], strides = [1, 1]} : vector<2048x8xf32> to vector<128x8xf32>
    %convert_element_type3A_124 = arith.truncf %slice3A_123 : vector<128x8xf32> to vector<128x8xbf16>
    %dot_general3A_125 = arith.constant dense<0.000000e+00> : vector<128x8xf32>
    %dot_general3A_126 = tpu.matmul %convert_element_type3A, %convert_element_type3A_124, %dot_general3A_125 {dimension_numbers = #tpu.dot_dimension_numbers<[1], [0], [0], [1], [0, 0, 1, 1], [], []>, transpose_lhs_hint = false} : vector<128x128xbf16>, vector<128x8xbf16>, vector<128x8xf32> -> vector<128x8xf32>
    %add3A_127 = vector.broadcast %add3A_122 : vector<1x8xf32> to vector<128x8xf32>
    %add3A_128 = arith.addf %dot_general3A_126, %add3A_127 : vector<128x8xf32>
    %reduce_sum3A_129 = arith.constant dense<0.000000e+00> : vector<8xf32>
    %reduce_sum3A_130 = vector.multi_reduction <add>, %slice3A_123, %reduce_sum3A_129 [0] : vector<128x8xf32> to vector<8xf32>
    %broadcast_in_dim3A_131 = vector.shape_cast %reduce_sum3A_130 : vector<8xf32> to vector<1x8xf32>
    %add3A_132 = arith.addf %add3A_122, %broadcast_in_dim3A_131 : vector<1x8xf32>
    %slice3A_133 = vector.extract_strided_slice %select_n3A_94 {offsets = [384, 0], sizes = [128, 8], strides = [1, 1]} : vector<2048x8xf32> to vector<128x8xf32>
    %convert_element_type3A_134 = arith.truncf %slice3A_133 : vector<128x8xf32> to vector<128x8xbf16>
    %dot_general3A_135 = arith.constant dense<0.000000e+00> : vector<128x8xf32>
    %dot_general3A_136 = tpu.matmul %convert_element_type3A, %convert_element_type3A_134, %dot_general3A_135 {dimension_numbers = #tpu.dot_dimension_numbers<[1], [0], [0], [1], [0, 0, 1, 1], [], []>, transpose_lhs_hint = false} : vector<128x128xbf16>, vector<128x8xbf16>, vector<128x8xf32> -> vector<128x8xf32>
    %add3A_137 = vector.broadcast %add3A_132 : vector<1x8xf32> to vector<128x8xf32>
    %add3A_138 = arith.addf %dot_general3A_136, %add3A_137 : vector<128x8xf32>
    %reduce_sum3A_139 = arith.constant dense<0.000000e+00> : vector<8xf32>
    %reduce_sum3A_140 = vector.multi_reduction <add>, %slice3A_133, %reduce_sum3A_139 [0] : vector<128x8xf32> to vector<8xf32>
    %broadcast_in_dim3A_141 = vector.shape_cast %reduce_sum3A_140 : vector<8xf32> to vector<1x8xf32>
    %add3A_142 = arith.addf %add3A_132, %broadcast_in_dim3A_141 : vector<1x8xf32>
    %slice3A_143 = vector.extract_strided_slice %select_n3A_94 {offsets = [512, 0], sizes = [128, 8], strides = [1, 1]} : vector<2048x8xf32> to vector<128x8xf32>
    %convert_element_type3A_144 = arith.truncf %slice3A_143 : vector<128x8xf32> to vector<128x8xbf16>
    %dot_general3A_145 = arith.constant dense<0.000000e+00> : vector<128x8xf32>
    %dot_general3A_146 = tpu.matmul %convert_element_type3A, %convert_element_type3A_144, %dot_general3A_145 {dimension_numbers = #tpu.dot_dimension_numbers<[1], [0], [0], [1], [0, 0, 1, 1], [], []>, transpose_lhs_hint = false} : vector<128x128xbf16>, vector<128x8xbf16>, vector<128x8xf32> -> vector<128x8xf32>
    %add3A_147 = vector.broadcast %add3A_142 : vector<1x8xf32> to vector<128x8xf32>
    %add3A_148 = arith.addf %dot_general3A_146, %add3A_147 : vector<128x8xf32>
    %reduce_sum3A_149 = arith.constant dense<0.000000e+00> : vector<8xf32>
    %reduce_sum3A_150 = vector.multi_reduction <add>, %slice3A_143, %reduce_sum3A_149 [0] : vector<128x8xf32> to vector<8xf32>
    %broadcast_in_dim3A_151 = vector.shape_cast %reduce_sum3A_150 : vector<8xf32> to vector<1x8xf32>
    %add3A_152 = arith.addf %add3A_142, %broadcast_in_dim3A_151 : vector<1x8xf32>
    %slice3A_153 = vector.extract_strided_slice %select_n3A_94 {offsets = [640, 0], sizes = [128, 8], strides = [1, 1]} : vector<2048x8xf32> to vector<128x8xf32>
    %convert_element_type3A_154 = arith.truncf %slice3A_153 : vector<128x8xf32> to vector<128x8xbf16>
    %dot_general3A_155 = arith.constant dense<0.000000e+00> : vector<128x8xf32>
    %dot_general3A_156 = tpu.matmul %convert_element_type3A, %convert_element_type3A_154, %dot_general3A_155 {dimension_numbers = #tpu.dot_dimension_numbers<[1], [0], [0], [1], [0, 0, 1, 1], [], []>, transpose_lhs_hint = false} : vector<128x128xbf16>, vector<128x8xbf16>, vector<128x8xf32> -> vector<128x8xf32>
    %add3A_157 = vector.broadcast %add3A_152 : vector<1x8xf32> to vector<128x8xf32>
    %add3A_158 = arith.addf %dot_general3A_156, %add3A_157 : vector<128x8xf32>
    %reduce_sum3A_159 = arith.constant dense<0.000000e+00> : vector<8xf32>
    %reduce_sum3A_160 = vector.multi_reduction <add>, %slice3A_153, %reduce_sum3A_159 [0] : vector<128x8xf32> to vector<8xf32>
    %broadcast_in_dim3A_161 = vector.shape_cast %reduce_sum3A_160 : vector<8xf32> to vector<1x8xf32>
    %add3A_162 = arith.addf %add3A_152, %broadcast_in_dim3A_161 : vector<1x8xf32>
    %slice3A_163 = vector.extract_strided_slice %select_n3A_94 {offsets = [768, 0], sizes = [128, 8], strides = [1, 1]} : vector<2048x8xf32> to vector<128x8xf32>
    %convert_element_type3A_164 = arith.truncf %slice3A_163 : vector<128x8xf32> to vector<128x8xbf16>
    %dot_general3A_165 = arith.constant dense<0.000000e+00> : vector<128x8xf32>
    %dot_general3A_166 = tpu.matmul %convert_element_type3A, %convert_element_type3A_164, %dot_general3A_165 {dimension_numbers = #tpu.dot_dimension_numbers<[1], [0], [0], [1], [0, 0, 1, 1], [], []>, transpose_lhs_hint = false} : vector<128x128xbf16>, vector<128x8xbf16>, vector<128x8xf32> -> vector<128x8xf32>
    %add3A_167 = vector.broadcast %add3A_162 : vector<1x8xf32> to vector<128x8xf32>
    %add3A_168 = arith.addf %dot_general3A_166, %add3A_167 : vector<128x8xf32>
    %reduce_sum3A_169 = arith.constant dense<0.000000e+00> : vector<8xf32>
    %reduce_sum3A_170 = vector.multi_reduction <add>, %slice3A_163, %reduce_sum3A_169 [0] : vector<128x8xf32> to vector<8xf32>
    %broadcast_in_dim3A_171 = vector.shape_cast %reduce_sum3A_170 : vector<8xf32> to vector<1x8xf32>
    %add3A_172 = arith.addf %add3A_162, %broadcast_in_dim3A_171 : vector<1x8xf32>
    %slice3A_173 = vector.extract_strided_slice %select_n3A_94 {offsets = [896, 0], sizes = [128, 8], strides = [1, 1]} : vector<2048x8xf32> to vector<128x8xf32>
    %convert_element_type3A_174 = arith.truncf %slice3A_173 : vector<128x8xf32> to vector<128x8xbf16>
    %dot_general3A_175 = arith.constant dense<0.000000e+00> : vector<128x8xf32>
    %dot_general3A_176 = tpu.matmul %convert_element_type3A, %convert_element_type3A_174, %dot_general3A_175 {dimension_numbers = #tpu.dot_dimension_numbers<[1], [0], [0], [1], [0, 0, 1, 1], [], []>, transpose_lhs_hint = false} : vector<128x128xbf16>, vector<128x8xbf16>, vector<128x8xf32> -> vector<128x8xf32>
    %add3A_177 = vector.broadcast %add3A_172 : vector<1x8xf32> to vector<128x8xf32>
    %add3A_178 = arith.addf %dot_general3A_176, %add3A_177 : vector<128x8xf32>
    %reduce_sum3A_179 = arith.constant dense<0.000000e+00> : vector<8xf32>
    %reduce_sum3A_180 = vector.multi_reduction <add>, %slice3A_173, %reduce_sum3A_179 [0] : vector<128x8xf32> to vector<8xf32>
    %broadcast_in_dim3A_181 = vector.shape_cast %reduce_sum3A_180 : vector<8xf32> to vector<1x8xf32>
    %add3A_182 = arith.addf %add3A_172, %broadcast_in_dim3A_181 : vector<1x8xf32>
    %slice3A_183 = vector.extract_strided_slice %select_n3A_94 {offsets = [1024, 0], sizes = [128, 8], strides = [1, 1]} : vector<2048x8xf32> to vector<128x8xf32>
    %convert_element_type3A_184 = arith.truncf %slice3A_183 : vector<128x8xf32> to vector<128x8xbf16>
    %dot_general3A_185 = arith.constant dense<0.000000e+00> : vector<128x8xf32>
    %dot_general3A_186 = tpu.matmul %convert_element_type3A, %convert_element_type3A_184, %dot_general3A_185 {dimension_numbers = #tpu.dot_dimension_numbers<[1], [0], [0], [1], [0, 0, 1, 1], [], []>, transpose_lhs_hint = false} : vector<128x128xbf16>, vector<128x8xbf16>, vector<128x8xf32> -> vector<128x8xf32>
    %add3A_187 = vector.broadcast %add3A_182 : vector<1x8xf32> to vector<128x8xf32>
    %add3A_188 = arith.addf %dot_general3A_186, %add3A_187 : vector<128x8xf32>
    %reduce_sum3A_189 = arith.constant dense<0.000000e+00> : vector<8xf32>
    %reduce_sum3A_190 = vector.multi_reduction <add>, %slice3A_183, %reduce_sum3A_189 [0] : vector<128x8xf32> to vector<8xf32>
    %broadcast_in_dim3A_191 = vector.shape_cast %reduce_sum3A_190 : vector<8xf32> to vector<1x8xf32>
    %add3A_192 = arith.addf %add3A_182, %broadcast_in_dim3A_191 : vector<1x8xf32>
    %slice3A_193 = vector.extract_strided_slice %select_n3A_94 {offsets = [1152, 0], sizes = [128, 8], strides = [1, 1]} : vector<2048x8xf32> to vector<128x8xf32>
    %convert_element_type3A_194 = arith.truncf %slice3A_193 : vector<128x8xf32> to vector<128x8xbf16>
    %dot_general3A_195 = arith.constant dense<0.000000e+00> : vector<128x8xf32>
    %dot_general3A_196 = tpu.matmul %convert_element_type3A, %convert_element_type3A_194, %dot_general3A_195 {dimension_numbers = #tpu.dot_dimension_numbers<[1], [0], [0], [1], [0, 0, 1, 1], [], []>, transpose_lhs_hint = false} : vector<128x128xbf16>, vector<128x8xbf16>, vector<128x8xf32> -> vector<128x8xf32>
    %add3A_197 = vector.broadcast %add3A_192 : vector<1x8xf32> to vector<128x8xf32>
    %add3A_198 = arith.addf %dot_general3A_196, %add3A_197 : vector<128x8xf32>
    %reduce_sum3A_199 = arith.constant dense<0.000000e+00> : vector<8xf32>
    %reduce_sum3A_200 = vector.multi_reduction <add>, %slice3A_193, %reduce_sum3A_199 [0] : vector<128x8xf32> to vector<8xf32>
    %broadcast_in_dim3A_201 = vector.shape_cast %reduce_sum3A_200 : vector<8xf32> to vector<1x8xf32>
    %add3A_202 = arith.addf %add3A_192, %broadcast_in_dim3A_201 : vector<1x8xf32>
    %slice3A_203 = vector.extract_strided_slice %select_n3A_94 {offsets = [1280, 0], sizes = [128, 8], strides = [1, 1]} : vector<2048x8xf32> to vector<128x8xf32>
    %convert_element_type3A_204 = arith.truncf %slice3A_203 : vector<128x8xf32> to vector<128x8xbf16>
    %dot_general3A_205 = arith.constant dense<0.000000e+00> : vector<128x8xf32>
    %dot_general3A_206 = tpu.matmul %convert_element_type3A, %convert_element_type3A_204, %dot_general3A_205 {dimension_numbers = #tpu.dot_dimension_numbers<[1], [0], [0], [1], [0, 0, 1, 1], [], []>, transpose_lhs_hint = false} : vector<128x128xbf16>, vector<128x8xbf16>, vector<128x8xf32> -> vector<128x8xf32>
    %add3A_207 = vector.broadcast %add3A_202 : vector<1x8xf32> to vector<128x8xf32>
    %add3A_208 = arith.addf %dot_general3A_206, %add3A_207 : vector<128x8xf32>
    %reduce_sum3A_209 = arith.constant dense<0.000000e+00> : vector<8xf32>
    %reduce_sum3A_210 = vector.multi_reduction <add>, %slice3A_203, %reduce_sum3A_209 [0] : vector<128x8xf32> to vector<8xf32>
    %broadcast_in_dim3A_211 = vector.shape_cast %reduce_sum3A_210 : vector<8xf32> to vector<1x8xf32>
    %add3A_212 = arith.addf %add3A_202, %broadcast_in_dim3A_211 : vector<1x8xf32>
    %slice3A_213 = vector.extract_strided_slice %select_n3A_94 {offsets = [1408, 0], sizes = [128, 8], strides = [1, 1]} : vector<2048x8xf32> to vector<128x8xf32>
    %convert_element_type3A_214 = arith.truncf %slice3A_213 : vector<128x8xf32> to vector<128x8xbf16>
    %dot_general3A_215 = arith.constant dense<0.000000e+00> : vector<128x8xf32>
    %dot_general3A_216 = tpu.matmul %convert_element_type3A, %convert_element_type3A_214, %dot_general3A_215 {dimension_numbers = #tpu.dot_dimension_numbers<[1], [0], [0], [1], [0, 0, 1, 1], [], []>, transpose_lhs_hint = false} : vector<128x128xbf16>, vector<128x8xbf16>, vector<128x8xf32> -> vector<128x8xf32>
    %add3A_217 = vector.broadcast %add3A_212 : vector<1x8xf32> to vector<128x8xf32>
    %add3A_218 = arith.addf %dot_general3A_216, %add3A_217 : vector<128x8xf32>
    %reduce_sum3A_219 = arith.constant dense<0.000000e+00> : vector<8xf32>
    %reduce_sum3A_220 = vector.multi_reduction <add>, %slice3A_213, %reduce_sum3A_219 [0] : vector<128x8xf32> to vector<8xf32>
    %broadcast_in_dim3A_221 = vector.shape_cast %reduce_sum3A_220 : vector<8xf32> to vector<1x8xf32>
    %add3A_222 = arith.addf %add3A_212, %broadcast_in_dim3A_221 : vector<1x8xf32>
    %slice3A_223 = vector.extract_strided_slice %select_n3A_94 {offsets = [1536, 0], sizes = [128, 8], strides = [1, 1]} : vector<2048x8xf32> to vector<128x8xf32>
    %convert_element_type3A_224 = arith.truncf %slice3A_223 : vector<128x8xf32> to vector<128x8xbf16>
    %dot_general3A_225 = arith.constant dense<0.000000e+00> : vector<128x8xf32>
    %dot_general3A_226 = tpu.matmul %convert_element_type3A, %convert_element_type3A_224, %dot_general3A_225 {dimension_numbers = #tpu.dot_dimension_numbers<[1], [0], [0], [1], [0, 0, 1, 1], [], []>, transpose_lhs_hint = false} : vector<128x128xbf16>, vector<128x8xbf16>, vector<128x8xf32> -> vector<128x8xf32>
    %add3A_227 = vector.broadcast %add3A_222 : vector<1x8xf32> to vector<128x8xf32>
    %add3A_228 = arith.addf %dot_general3A_226, %add3A_227 : vector<128x8xf32>
    %reduce_sum3A_229 = arith.constant dense<0.000000e+00> : vector<8xf32>
    %reduce_sum3A_230 = vector.multi_reduction <add>, %slice3A_223, %reduce_sum3A_229 [0] : vector<128x8xf32> to vector<8xf32>
    %broadcast_in_dim3A_231 = vector.shape_cast %reduce_sum3A_230 : vector<8xf32> to vector<1x8xf32>
    %add3A_232 = arith.addf %add3A_222, %broadcast_in_dim3A_231 : vector<1x8xf32>
    %slice3A_233 = vector.extract_strided_slice %select_n3A_94 {offsets = [1664, 0], sizes = [128, 8], strides = [1, 1]} : vector<2048x8xf32> to vector<128x8xf32>
    %convert_element_type3A_234 = arith.truncf %slice3A_233 : vector<128x8xf32> to vector<128x8xbf16>
    %dot_general3A_235 = arith.constant dense<0.000000e+00> : vector<128x8xf32>
    %dot_general3A_236 = tpu.matmul %convert_element_type3A, %convert_element_type3A_234, %dot_general3A_235 {dimension_numbers = #tpu.dot_dimension_numbers<[1], [0], [0], [1], [0, 0, 1, 1], [], []>, transpose_lhs_hint = false} : vector<128x128xbf16>, vector<128x8xbf16>, vector<128x8xf32> -> vector<128x8xf32>
    %add3A_237 = vector.broadcast %add3A_232 : vector<1x8xf32> to vector<128x8xf32>
    %add3A_238 = arith.addf %dot_general3A_236, %add3A_237 : vector<128x8xf32>
    %reduce_sum3A_239 = arith.constant dense<0.000000e+00> : vector<8xf32>
    %reduce_sum3A_240 = vector.multi_reduction <add>, %slice3A_233, %reduce_sum3A_239 [0] : vector<128x8xf32> to vector<8xf32>
    %broadcast_in_dim3A_241 = vector.shape_cast %reduce_sum3A_240 : vector<8xf32> to vector<1x8xf32>
    %add3A_242 = arith.addf %add3A_232, %broadcast_in_dim3A_241 : vector<1x8xf32>
    %slice3A_243 = vector.extract_strided_slice %select_n3A_94 {offsets = [1792, 0], sizes = [128, 8], strides = [1, 1]} : vector<2048x8xf32> to vector<128x8xf32>
    %convert_element_type3A_244 = arith.truncf %slice3A_243 : vector<128x8xf32> to vector<128x8xbf16>
    %dot_general3A_245 = arith.constant dense<0.000000e+00> : vector<128x8xf32>
    %dot_general3A_246 = tpu.matmul %convert_element_type3A, %convert_element_type3A_244, %dot_general3A_245 {dimension_numbers = #tpu.dot_dimension_numbers<[1], [0], [0], [1], [0, 0, 1, 1], [], []>, transpose_lhs_hint = false} : vector<128x128xbf16>, vector<128x8xbf16>, vector<128x8xf32> -> vector<128x8xf32>
    %add3A_247 = vector.broadcast %add3A_242 : vector<1x8xf32> to vector<128x8xf32>
    %add3A_248 = arith.addf %dot_general3A_246, %add3A_247 : vector<128x8xf32>
    %reduce_sum3A_249 = arith.constant dense<0.000000e+00> : vector<8xf32>
    %reduce_sum3A_250 = vector.multi_reduction <add>, %slice3A_243, %reduce_sum3A_249 [0] : vector<128x8xf32> to vector<8xf32>
    %broadcast_in_dim3A_251 = vector.shape_cast %reduce_sum3A_250 : vector<8xf32> to vector<1x8xf32>
    %add3A_252 = arith.addf %add3A_242, %broadcast_in_dim3A_251 : vector<1x8xf32>
    %slice3A_253 = vector.extract_strided_slice %select_n3A_94 {offsets = [1920, 0], sizes = [128, 8], strides = [1, 1]} : vector<2048x8xf32> to vector<128x8xf32>
    %convert_element_type3A_254 = arith.truncf %slice3A_253 : vector<128x8xf32> to vector<128x8xbf16>
    %dot_general3A_255 = arith.constant dense<0.000000e+00> : vector<128x8xf32>
    %dot_general3A_256 = tpu.matmul %convert_element_type3A, %convert_element_type3A_254, %dot_general3A_255 {dimension_numbers = #tpu.dot_dimension_numbers<[1], [0], [0], [1], [0, 0, 1, 1], [], []>, transpose_lhs_hint = false} : vector<128x128xbf16>, vector<128x8xbf16>, vector<128x8xf32> -> vector<128x8xf32>
    %add3A_257 = vector.broadcast %add3A_252 : vector<1x8xf32> to vector<128x8xf32>
    %add3A_258 = arith.addf %dot_general3A_256, %add3A_257 : vector<128x8xf32>
    %reduce_sum3A_259 = arith.constant dense<0.000000e+00> : vector<8xf32>
    %reduce_sum3A_260 = vector.multi_reduction <add>, %slice3A_253, %reduce_sum3A_259 [0] : vector<128x8xf32> to vector<8xf32>
    %broadcast_in_dim3A_261 = vector.shape_cast %reduce_sum3A_260 : vector<8xf32> to vector<1x8xf32>
    %add3A_262 = arith.addf %add3A_252, %broadcast_in_dim3A_261 : vector<1x8xf32>
    %concatenate3A_263 = tpu.concatenate %add3A_108, %add3A_118, %add3A_128, %add3A_138, %add3A_148, %add3A_158, %add3A_168, %add3A_178, %add3A_188, %add3A_198, %add3A_208, %add3A_218, %add3A_228, %add3A_238, %add3A_248, %add3A_258 in 0 : vector<128x8xf32>, vector<128x8xf32>, vector<128x8xf32>, vector<128x8xf32>, vector<128x8xf32>, vector<128x8xf32>, vector<128x8xf32>, vector<128x8xf32>, vector<128x8xf32>, vector<128x8xf32>, vector<128x8xf32>, vector<128x8xf32>, vector<128x8xf32>, vector<128x8xf32>, vector<128x8xf32>, vector<128x8xf32> -> vector<2048x8xf32>
    %iota3A_264 = tpu.iota {dimensions = array<i32: 0>} : vector<8x8xi32>
    %iota3A_265 = tpu.iota {dimensions = array<i32: 1>} : vector<8x8xi32>
    %lt3A_266 = arith.cmpi slt, %iota3A_264, %iota3A_265 : vector<8x8xi32>
    %jit3A_267 = arith.constant 1.000000e+00 : f32
    %jit3A_268 = arith.constant 0.000000e+00 : f32
    %broadcast_in_dim3A_269 = vector.broadcast %jit3A_267 : f32 to vector<8x8xf32>
    %broadcast_in_dim3A_270 = vector.broadcast %jit3A_268 : f32 to vector<8x8xf32>
    %select_n3A_271 = arith.select %lt3A_266, %broadcast_in_dim3A_269, %broadcast_in_dim3A_270 : vector<8x8xi1>, vector<8x8xf32>
    %dot_general3A_272 = arith.constant dense<0.000000e+00> : vector<1x8xf32>
    %dot_general3A_273 = tpu.matmul %add3A_262, %select_n3A_271, %dot_general3A_272 {dimension_numbers = #tpu.dot_dimension_numbers<[1], [0], [0], [1], [0, 0, 1, 1], [], []>, precision = #tpu.contract_precision<fp32>, transpose_lhs_hint = false} : vector<1x8xf32>, vector<8x8xf32>, vector<1x8xf32> -> vector<1x8xf32>
    %add3A_274 = vector.broadcast %dot_general3A_273 : vector<1x8xf32> to vector<2048x8xf32>
    %add3A_275 = arith.addf %add3A_274, %concatenate3A_263 : vector<2048x8xf32>
    %eq3A_276 = vector.broadcast %broadcast_in_dim3A_19 : vector<2048x1xi32> to vector<2048x8xi32>
    %eq3A_277 = arith.cmpi eq, %iota3A, %eq3A_276 : vector<2048x8xi32>
    %jit3A_278 = arith.constant 0.000000e+00 : f32
    %broadcast_in_dim3A_279 = vector.broadcast %jit3A_278 : f32 to vector<2048x8xf32>
    %select_n3A_280 = arith.select %eq3A_277, %add3A_275, %broadcast_in_dim3A_279 : vector<2048x8xi1>, vector<2048x8xf32>
    %reduce_sum3A_281 = arith.constant dense<0.000000e+00> : vector<2048xf32>
    %reduce_sum3A_282 = vector.multi_reduction <add>, %select_n3A_280, %reduce_sum3A_281 [1] : vector<2048x8xf32> to vector<2048xf32>
    %broadcast_in_dim3A_283 = vector.shape_cast %reduce_sum3A_282 : vector<2048xf32> to vector<2048x1xf32>
    %eq3A_284 = vector.broadcast %broadcast_in_dim3A_35 : vector<2048x1xi32> to vector<2048x8xi32>
    %eq3A_285 = arith.cmpi eq, %iota3A, %eq3A_284 : vector<2048x8xi32>
    %jit3A_286 = arith.constant 0.000000e+00 : f32
    %broadcast_in_dim3A_287 = vector.broadcast %jit3A_286 : f32 to vector<2048x8xf32>
    %select_n3A_288 = arith.select %eq3A_285, %add3A_275, %broadcast_in_dim3A_287 : vector<2048x8xi1>, vector<2048x8xf32>
    %reduce_sum3A_289 = arith.constant dense<0.000000e+00> : vector<2048xf32>
    %reduce_sum3A_290 = vector.multi_reduction <add>, %select_n3A_288, %reduce_sum3A_289 [1] : vector<2048x8xf32> to vector<2048xf32>
    %broadcast_in_dim3A_291 = vector.shape_cast %reduce_sum3A_290 : vector<2048xf32> to vector<2048x1xf32>
    %concatenate3A_292 = tpu.concatenate %broadcast_in_dim3A_283, %broadcast_in_dim3A_291 in 1 : vector<2048x1xf32>, vector<2048x1xf32> -> vector<2048x2xf32>
    %convert_element_type3A_293 = arith.fptosi %concatenate3A_292 : vector<2048x2xf32> to vector<2048x2xi32>
    %swap3A_294 = arith.constant 0 : index
    %swap3A_295 = arith.constant 0 : index
    %swap3A_296 = vector.load %arg5[%swap3A_294, %swap3A_295] : memref<2048x2xi32, #tpu.memory_space<vmem>>, vector<2048x2xi32>
    tpu.vector_store %arg5[%swap3A_294, %swap3A_295], %convert_element_type3A_293 {strides = array<i32>} : memref<2048x2xi32, #tpu.memory_space<vmem>>, vector<2048x2xi32>,
    %concatenate3A_297 = tpu.concatenate %add3A_262, %dot_general3A_273 in 0 : vector<1x8xf32>, vector<1x8xf32> -> vector<2x8xf32>
    %convert_element_type3A_298 = arith.fptosi %concatenate3A_297 : vector<2x8xf32> to vector<2x8xi32>
    %swap3A_299 = arith.constant 0 : index
    %swap3A_300 = arith.constant 0 : index
    %swap3A_301 = vector.load %arg7[%swap3A_299, %swap3A_300] : memref<2x8xi32, #tpu.memory_space<vmem>>, vector<2x8xi32>
    tpu.vector_store %arg7[%swap3A_299, %swap3A_300], %convert_element_type3A_298 {strides = array<i32>} : memref<2x8xi32, #tpu.memory_space<vmem>>, vector<2x8xi32>,
    return
  }
}

module attributes {stable_mosaic.version = 14 : i64} {
  func.func @_gmm_body(%arg0: i32, %arg1: memref<15xi32, #tpu.memory_space<smem>>, %arg2: memref<15xi32, #tpu.memory_space<smem>>, %arg3: memref<15xi32, #tpu.memory_space<smem>>, %arg4: memref<15xi32, #tpu.memory_space<smem>>, %arg5: memref<512x768xf32, #tpu.memory_space<vmem>>, %arg6: memref<1x768x3072xbf16, #tpu.memory_space<vmem>>, %arg7: memref<1x1x3072xf32, #tpu.memory_space<vmem>>, %arg8: memref<1x3072x768xbf16, #tpu.memory_space<vmem>>, %arg9: memref<1x1x768xf32, #tpu.memory_space<vmem>>, %arg10: memref<512x1xf32, #tpu.memory_space<vmem>>, %arg11: memref<512x768xf32, #tpu.memory_space<vmem>>) attributes {dimension_semantics = [#tpu.dimension_semantics<arbitrary>], iteration_bounds = array<i64: 15>, scalar_prefetch = 4 : i64, scratch_operands = 0 : i64, tpu.core_type = #tpu.core_type<tc>, window_params = [{transform_indices = @transform_0, window_bounds = array<i64: 512, 768>}, {transform_indices = @transform_1, window_bounds = array<i64: 1, 768, 3072>}, {transform_indices = @transform_2, window_bounds = array<i64: 1, 1, 3072>}, {transform_indices = @transform_3, window_bounds = array<i64: 1, 3072, 768>}, {transform_indices = @transform_4, window_bounds = array<i64: 1, 1, 768>}, {transform_indices = @transform_5, window_bounds = array<i64: 512, 1>}, {transform_indices = @transform_6, window_bounds = array<i64: 512, 768>}]} {
    %get3A = arith.index_cast %arg0 : i32 to index
    %get3A_0 = memref.load %arg3[%get3A] : memref<15xi32, #tpu.memory_space<smem>>
    %get3A_1 = arith.index_cast %arg0 : i32 to index
    %get3A_2 = memref.load %arg4[%get3A_1] : memref<15xi32, #tpu.memory_space<smem>>
    %get3A_3 = arith.index_cast %arg0 : i32 to index
    %get3A_4 = memref.load %arg1[%get3A_3] : memref<15xi32, #tpu.memory_space<smem>>
    %sub3A = arith.constant 1 : i32
    %sub3A_5 = arith.subi %arg0, %sub3A : i32
    %max3A = arith.constant 0 : i32
    %max3A_6 = arith.maxsi %sub3A_5, %max3A : i32
    %get3A_7 = arith.index_cast %max3A_6 : i32 to index
    %get3A_8 = memref.load %arg1[%get3A_7] : memref<15xi32, #tpu.memory_space<smem>>
    %eq3A = arith.constant 0 : i32
    %eq3A_9 = arith.cmpi eq, %arg0, %eq3A : i32
    %ne3A = arith.cmpi ne, %get3A_4, %get3A_8 : i32
    %or3A = arith.ori %eq3A_9, %ne3A : i1
    %lt3A = arith.cmpi slt, %get3A_0, %get3A_2 : i32
    %convert_element_type3A = arith.extui %lt3A : i1 to i32
    %cond3A = arith.constant 0 : i32
    %cond3A_10 = arith.cmpi ne, %convert_element_type3A, %cond3A : i32
    scf.if %cond3A_10 {
      %get3A_11 = arith.constant 0 : index
      %get3A_12 = arith.constant 0 : index
      %get3A_13 = vector.load %arg5[%get3A_11, %get3A_12] : memref<512x768xf32, #tpu.memory_space<vmem>>, vector<512x768xf32>
      %convert_element_type3A_14 = arith.truncf %get3A_13 : vector<512x768xf32> to vector<512x768xbf16>
      %get3A_15 = arith.constant 0 : index
      %get3A_16 = arith.constant 0 : index
      %get3A_17 = arith.constant 0 : index
      %get3A_18 = vector.load %arg6[%get3A_15, %get3A_16, %get3A_17] : memref<1x768x3072xbf16, #tpu.memory_space<vmem>>, vector<1x768x3072xbf16>
      %get3A_19 = vector.shape_cast %get3A_18 : vector<1x768x3072xbf16> to vector<768x3072xbf16>
      %dot_general3A = arith.constant dense<0.000000e+00> : vector<512x3072xf32>
      %dot_general3A_20 = tpu.matmul %convert_element_type3A_14, %get3A_19, %dot_general3A {dimension_numbers = #tpu.dot_dimension_numbers<[1], [0], [0], [1], [0, 0, 1, 1], [], []>, transpose_lhs_hint = false} : vector<512x768xbf16>, vector<768x3072xbf16>, vector<512x3072xf32> -> vector<512x3072xf32>
      %get3A_21 = arith.constant 0 : index
      %get3A_22 = arith.constant 0 : index
      %get3A_23 = arith.constant 0 : index
      %get3A_24 = vector.load %arg7[%get3A_21, %get3A_22, %get3A_23] : memref<1x1x3072xf32, #tpu.memory_space<vmem>>, vector<1x1x3072xf32>
      %get3A_25 = vector.shape_cast %get3A_24 : vector<1x1x3072xf32> to vector<1x3072xf32>
      %add3A = vector.broadcast %get3A_25 : vector<1x3072xf32> to vector<512x3072xf32>
      %add3A_26 = arith.addf %dot_general3A_20, %add3A : vector<512x3072xf32>
      %mul3A = arith.constant 5.000000e-01 : f32
      %mul3A_27 = vector.broadcast %mul3A : f32 to vector<512x3072xf32>
      %mul3A_28 = arith.mulf %mul3A_27, %add3A_26 : vector<512x3072xf32>
      %mul3A_29 = arith.constant 0.707106769 : f32
      %mul3A_30 = vector.broadcast %mul3A_29 : f32 to vector<512x3072xf32>
      %mul3A_31 = arith.mulf %add3A_26, %mul3A_30 : vector<512x3072xf32>
      %erf3A = math.erf %mul3A_31 : vector<512x3072xf32>
      %add3A_32 = arith.constant 1.000000e+00 : f32
      %add3A_33 = vector.broadcast %add3A_32 : f32 to vector<512x3072xf32>
      %add3A_34 = arith.addf %add3A_33, %erf3A : vector<512x3072xf32>
      %mul3A_35 = arith.mulf %mul3A_28, %add3A_34 : vector<512x3072xf32>
      %convert_element_type3A_36 = arith.truncf %mul3A_35 : vector<512x3072xf32> to vector<512x3072xbf16>
      %get3A_37 = arith.constant 0 : index
      %get3A_38 = arith.constant 0 : index
      %get3A_39 = arith.constant 0 : index
      %get3A_40 = vector.load %arg8[%get3A_37, %get3A_38, %get3A_39] : memref<1x3072x768xbf16, #tpu.memory_space<vmem>>, vector<1x3072x768xbf16>
      %get3A_41 = vector.shape_cast %get3A_40 : vector<1x3072x768xbf16> to vector<3072x768xbf16>
      %dot_general3A_42 = arith.constant dense<0.000000e+00> : vector<512x768xf32>
      %dot_general3A_43 = tpu.matmul %convert_element_type3A_36, %get3A_41, %dot_general3A_42 {dimension_numbers = #tpu.dot_dimension_numbers<[1], [0], [0], [1], [0, 0, 1, 1], [], []>, transpose_lhs_hint = false} : vector<512x3072xbf16>, vector<3072x768xbf16>, vector<512x768xf32> -> vector<512x768xf32>
      %get3A_44 = arith.constant 0 : index
      %get3A_45 = arith.constant 0 : index
      %get3A_46 = arith.constant 0 : index
      %get3A_47 = vector.load %arg9[%get3A_44, %get3A_45, %get3A_46] : memref<1x1x768xf32, #tpu.memory_space<vmem>>, vector<1x1x768xf32>
      %get3A_48 = vector.shape_cast %get3A_47 : vector<1x1x768xf32> to vector<1x768xf32>
      %add3A_49 = vector.broadcast %get3A_48 : vector<1x768xf32> to vector<512x768xf32>
      %add3A_50 = arith.addf %dot_general3A_43, %add3A_49 : vector<512x768xf32>
      %get3A_51 = arith.constant 0 : index
      %get3A_52 = arith.constant 0 : index
      %get3A_53 = vector.load %arg10[%get3A_51, %get3A_52] : memref<512x1xf32, #tpu.memory_space<vmem>>, vector<512x1xf32>
      %mul3A_54 = vector.broadcast %get3A_53 : vector<512x1xf32> to vector<512x768xf32>
      %mul3A_55 = arith.mulf %add3A_50, %mul3A_54 : vector<512x768xf32>
      %mul3A_56 = arith.constant 512 : i32
      %mul3A_57 = arith.muli %get3A_4, %mul3A_56 : i32
      %iota3A = tpu.iota {dimensions = array<i32: 0>} : vector<512x1xi32>
      %add3A_58 = vector.broadcast %mul3A_57 : i32 to vector<512x1xi32>
      %add3A_59 = arith.addi %add3A_58, %iota3A : vector<512x1xi32>
      %ge3A = vector.broadcast %get3A_0 : i32 to vector<512x1xi32>
      %ge3A_60 = arith.cmpi sge, %add3A_59, %ge3A : vector<512x1xi32>
      %lt3A_61 = vector.broadcast %get3A_2 : i32 to vector<512x1xi32>
      %lt3A_62 = arith.cmpi slt, %add3A_59, %lt3A_61 : vector<512x1xi32>
      %and3A = arith.andi %ge3A_60, %lt3A_62 : vector<512x1xi1>
      %jit3A = arith.constant 0.000000e+00 : f32
      %broadcast_in_dim3A = vector.shape_cast %and3A : vector<512x1xi1> to vector<512x1xi1>
      %broadcast_in_dim3A_63 = vector.broadcast %broadcast_in_dim3A : vector<512x1xi1> to vector<512x768xi1>
      %broadcast_in_dim3A_64 = vector.broadcast %jit3A : f32 to vector<512x768xf32>
      %select_n3A = arith.select %broadcast_in_dim3A_63, %mul3A_55, %broadcast_in_dim3A_64 : vector<512x768xi1>, vector<512x768xf32>
      %convert_element_type3A_65 = arith.extui %or3A : i1 to i32
      %cond3A_66 = arith.constant 0 : i32
      %cond3A_67 = arith.cmpi ne, %convert_element_type3A_65, %cond3A_66 : i32
      scf.if %cond3A_67 {
        %swap3A = arith.constant 0 : index
        %swap3A_72 = arith.constant 0 : index
        %swap3A_73 = vector.load %arg11[%swap3A, %swap3A_72] : memref<512x768xf32, #tpu.memory_space<vmem>>, vector<512x768xf32>
        tpu.vector_store %arg11[%swap3A, %swap3A_72], %select_n3A {strides = array<i32>} : memref<512x768xf32, #tpu.memory_space<vmem>>, vector<512x768xf32>,
      } else {
      }
      %not3A = arith.constant true
      %not3A_68 = arith.xori %or3A, %not3A : i1
      %convert_element_type3A_69 = arith.extui %not3A_68 : i1 to i32
      %cond3A_70 = arith.constant 0 : i32
      %cond3A_71 = arith.cmpi ne, %convert_element_type3A_69, %cond3A_70 : i32
      scf.if %cond3A_71 {
        %get3A_72 = arith.constant 0 : index
        %get3A_73 = arith.constant 0 : index
        %get3A_74 = vector.load %arg11[%get3A_72, %get3A_73] : memref<512x768xf32, #tpu.memory_space<vmem>>, vector<512x768xf32>
        %add3A_75 = arith.addf %get3A_74, %select_n3A : vector<512x768xf32>
        %swap3A = arith.constant 0 : index
        %swap3A_76 = arith.constant 0 : index
        %swap3A_77 = vector.load %arg11[%swap3A, %swap3A_76] : memref<512x768xf32, #tpu.memory_space<vmem>>, vector<512x768xf32>
        tpu.vector_store %arg11[%swap3A, %swap3A_76], %add3A_75 {strides = array<i32>} : memref<512x768xf32, #tpu.memory_space<vmem>>, vector<512x768xf32>,
      } else {
      }
    } else {
    }
    return
  }
  func.func @transform_0(%arg0: i32, %arg1: memref<15xi32, #tpu.memory_space<smem>>, %arg2: memref<15xi32, #tpu.memory_space<smem>>, %arg3: memref<15xi32, #tpu.memory_space<smem>>, %arg4: memref<15xi32, #tpu.memory_space<smem>>) -> (i32, i32) {
    %get3A = arith.index_cast %arg0 : i32 to index
    %get3A_0 = memref.load %arg1[%get3A] : memref<15xi32, #tpu.memory_space<smem>>
    %c0_i32 = arith.constant 0 : i32
    %c0_i32_1 = arith.constant 0 : i32
    return %get3A_0, %c0_i32 : i32, i32
  }
  func.func @transform_1(%arg0: i32, %arg1: memref<15xi32, #tpu.memory_space<smem>>, %arg2: memref<15xi32, #tpu.memory_space<smem>>, %arg3: memref<15xi32, #tpu.memory_space<smem>>, %arg4: memref<15xi32, #tpu.memory_space<smem>>) -> (i32, i32, i32) {
    %get3A = arith.index_cast %arg0 : i32 to index
    %get3A_0 = memref.load %arg2[%get3A] : memref<15xi32, #tpu.memory_space<smem>>
    %c0_i32 = arith.constant 0 : i32
    %c0_i32_1 = arith.constant 0 : i32
    %c0_i32_2 = arith.constant 0 : i32
    return %get3A_0, %c0_i32, %c0_i32_1 : i32, i32, i32
  }
  func.func @transform_2(%arg0: i32, %arg1: memref<15xi32, #tpu.memory_space<smem>>, %arg2: memref<15xi32, #tpu.memory_space<smem>>, %arg3: memref<15xi32, #tpu.memory_space<smem>>, %arg4: memref<15xi32, #tpu.memory_space<smem>>) -> (i32, i32, i32) {
    %get3A = arith.index_cast %arg0 : i32 to index
    %get3A_0 = memref.load %arg2[%get3A] : memref<15xi32, #tpu.memory_space<smem>>
    %c0_i32 = arith.constant 0 : i32
    %c0_i32_1 = arith.constant 0 : i32
    %c0_i32_2 = arith.constant 0 : i32
    return %get3A_0, %c0_i32, %c0_i32_1 : i32, i32, i32
  }
  func.func @transform_3(%arg0: i32, %arg1: memref<15xi32, #tpu.memory_space<smem>>, %arg2: memref<15xi32, #tpu.memory_space<smem>>, %arg3: memref<15xi32, #tpu.memory_space<smem>>, %arg4: memref<15xi32, #tpu.memory_space<smem>>) -> (i32, i32, i32) {
    %get3A = arith.index_cast %arg0 : i32 to index
    %get3A_0 = memref.load %arg2[%get3A] : memref<15xi32, #tpu.memory_space<smem>>
    %c0_i32 = arith.constant 0 : i32
    %c0_i32_1 = arith.constant 0 : i32
    %c0_i32_2 = arith.constant 0 : i32
    return %get3A_0, %c0_i32, %c0_i32_1 : i32, i32, i32
  }
  func.func @transform_4(%arg0: i32, %arg1: memref<15xi32, #tpu.memory_space<smem>>, %arg2: memref<15xi32, #tpu.memory_space<smem>>, %arg3: memref<15xi32, #tpu.memory_space<smem>>, %arg4: memref<15xi32, #tpu.memory_space<smem>>) -> (i32, i32, i32) {
    %get3A = arith.index_cast %arg0 : i32 to index
    %get3A_0 = memref.load %arg2[%get3A] : memref<15xi32, #tpu.memory_space<smem>>
    %c0_i32 = arith.constant 0 : i32
    %c0_i32_1 = arith.constant 0 : i32
    %c0_i32_2 = arith.constant 0 : i32
    return %get3A_0, %c0_i32, %c0_i32_1 : i32, i32, i32
  }
  func.func @transform_5(%arg0: i32, %arg1: memref<15xi32, #tpu.memory_space<smem>>, %arg2: memref<15xi32, #tpu.memory_space<smem>>, %arg3: memref<15xi32, #tpu.memory_space<smem>>, %arg4: memref<15xi32, #tpu.memory_space<smem>>) -> (i32, i32) {
    %get3A = arith.index_cast %arg0 : i32 to index
    %get3A_0 = memref.load %arg1[%get3A] : memref<15xi32, #tpu.memory_space<smem>>
    %c0_i32 = arith.constant 0 : i32
    %c0_i32_1 = arith.constant 0 : i32
    return %get3A_0, %c0_i32 : i32, i32
  }
  func.func @transform_6(%arg0: i32, %arg1: memref<15xi32, #tpu.memory_space<smem>>, %arg2: memref<15xi32, #tpu.memory_space<smem>>, %arg3: memref<15xi32, #tpu.memory_space<smem>>, %arg4: memref<15xi32, #tpu.memory_space<smem>>) -> (i32, i32) {
    %get3A = arith.index_cast %arg0 : i32 to index
    %get3A_0 = memref.load %arg1[%get3A] : memref<15xi32, #tpu.memory_space<smem>>
    %c0_i32 = arith.constant 0 : i32
    %c0_i32_1 = arith.constant 0 : i32
    return %get3A_0, %c0_i32 : i32, i32
  }
}

</mosaic_0001>

<sc_bundles>
// kernel: kernel.5.cloned.1.call-start
scs
__scs_entry_jumppad:
0x0: {  	(pc) =	sbr.rel $0x88, $3  }
0x1: {  	(tag) =	ssettag $0x0;
	lr =	simm.s32 $0x1  }
0x2: {  	[smem:$0x3F9B] =	sst lr;
	_ =	strace $0xD0000000  }
0x3: {  	_ = 	snop  }
0x4: {  	_ = 	snop  }
0x5: {  	_ = 	snop  }
0x6: {  	_ = 	snop  }
0x7: {  	_ = 	snop  }
__scs_overlays_trampoline_lowered:
0x8: {  	[smem:$0x3FAA] =	sst s0  }
0x9: {  	[smem:$0x3FAB] =	sst s1  }
0xa: {  	[smem:$0x3FAC] =	sst s2  }
0xb: {  	[smem:$0x3FAD] =	sst s3  }
0xc: {  	[smem:$0x3FAE] =	sst s4  }
0xd: {  	[smem:$0x3FAF] =	sst s5  }
0xe: {  	[smem:$0x3FB0] =	sst s6  }
0xf: {  	[smem:$0x3FB1] =	sst s7  }
0x10: {  	[smem:$0x3FB2] =	sst s8  }
0x11: {  	[smem:$0x3FB3] =	sst s9;
	s0 =	simm.s32 @!p0 $0x0  }
0x12: {  	s1 =	sld [smem:$0x3F99];
	s0 =	simm.s32 @p0 $0x1  }
0x13: {  	[smem:$0x3FB4] =	sst s0;
	s0 =	simm.s32 @!p1 $0x0  }
0x14: {  	s2 =	sld [smem:$0x3F98];
	s0 =	simm.s32 @p1 $0x1  }
0x15: {  	[smem:$0x3FB5] =	sst s0;
	s0 =	simm.s32 @!p2 $0x0  }
0x16: {  	s3 =	sld [smem:$0x3FDB];
	s0 =	simm.s32 @p2 $0x1  }
0x17: {  	s4 =	simm.s32 $0x1BF5;
	[smem:$0x3FB7] =	sst s0  }
0x18: {  	s0 =	sld [smem:$0x3F9A];
	_ =	swait.ge [sflag:s4], $0x0  }
0x19: {  	s7 =	sld [smem:$0x3F9B]  }
0x1a: {  	s8 =	sadd.s32 $0xFFFFE003, lr  }
0x1b: {  	s9 =	sadd.s32 $0xFFFFFEF7, lr;
	s5 =	simm.s32 $0xFFFFFFFF;
	p2 =	slt.u32 s8, $0xFFFFF086  }
0x1c: {  	p1 =	slt.u32 s9, $0xF7A;
	s5 =	simm.s32 @!p2 $0x0  }
0x1d: {  	s5 =	simm.s32 @p1 $0x1;
	p0 =	seq.s32 s7, s2  }
0x1e: {  	s7 =	smul.u32 @!p0 $0xF7A, s2;
	p2 =	seq.s32 @!p0 s5, $0x0  }
0x1f: {  	s9 =	smul.u32 $0xF7A, s1;
	s8 =	simm.s32 @!p0 $0x1BF5;
	p2 =	por !p2, p0  }
0x20: {  	[sflag:s8] =	ssyncset.s32 @!p0 $0xFFFFF086;
	s6 =	sadd.s32 @!p0 s3, s7;
	s7 =	simm.s32 @!p0 $0x108  }
0x21: {  	s3 =	sadd.s32 s3, s9;
	s6 =	sadd.s32 @!p0 $0x88, s6;
	s7 =	simm.s32 @p2 $0x1082  }
0x22: {  	[simem:s7], [sflag:s8] =	dma.local @!p0 [hbm:s6], $0xF7A  }
0x23: {  	s9 =	sor.u32 $0xD0000000, s2;
	s6 =	simm.s32 $0x108;
	_ =	swait.ge @!p0 [sflag:s8], $0x0  }
0x24: {  	s3 =	sadd.s32 $0x88, s3;
	s6 =	simm.s32 @!p1 $0x1082;
	[sflag:s4] =	ssyncset.s32 $0xFFFFF086  }
0x25: {  	[simem:s6], [sflag:s4] =	dma.local [hbm:s3], $0xF7A  }
0x26: {  	[smem:$0x3F9B] =	sst s1;
	(tag) =	ssettag s2;
	_ =	strace s9  }
0x27: {  	s1 =	sld [smem:$0x3FAB]  }
0x28: {  	s2 =	sld [smem:$0x3FAC]  }
0x29: {  	s4 =	sld [smem:$0x3FAE]  }
0x2a: {  	p0 =	seq.s32 s5, $0x0;
	s5 =	sld [smem:$0x3FAF]  }
0x2b: {  	s6 =	sld [smem:$0x3FB0]  }
0x2c: {  	s7 =	sld [smem:$0x3FB1]  }
0x2d: {  	s3 =	simm.s32 $0x108;
	s8 =	sld [smem:$0x3FB2]  }
0x2e: {  	s3 =	simm.s32 @!p0 $0x1082;
	s9 =	sld [smem:$0x3FB3]  }
0x2f: {  	lr =	sadd.s32 s0, s3;
	s0 =	sld [smem:$0x3FAA]  }
0x30: {  	s3 =	sld [smem:$0x3FAD]  }
0x31: {  	[smem:$0x3FB6] =	sst s10  }
0x32: {  	s10 =	sld [smem:$0x3FB4];
	_ =	sdelay $0x3  }
0x33: {  	p0 =	seq.s32 s10, $0x1;
	s10 =	sld [smem:$0x3FB6];
	_ =	sdelay $0x3  }
0x34: {  	[smem:$0x3FB6] =	sst s10  }
0x35: {  	s10 =	sld [smem:$0x3FB5];
	_ =	sdelay $0x3  }
0x36: {  	p1 =	seq.s32 s10, $0x1;
	s10 =	sld [smem:$0x3FB6];
	_ =	sdelay $0x3  }
0x37: {  	[smem:$0x3FB6] =	sst s10  }
0x38: {  	s10 =	sld [smem:$0x3FB7]  }
0x39: {  	_ = 	snop;
	(pc) =	sbr.ind lr, $3  }
0x3a: {  	_ = 	snop  }
0x3b: {  	_ = 	snop  }
0x3c: {  	p2 =	seq.s32 s10, $0x1;
	s10 =	sld [smem:$0x3FB6]  }
0x3d: {  	_ =	shalt  }
0x3e: {  	_ =	shalt  }
0x3f: {  	_ =	shalt  }
0x40: {  	_ =	shalt  }
0x41: {  	_ =	shalt  }
0x42: {  	_ =	shalt  }
0x43: {  	_ =	shalt  }
0x44: {  	_ =	shalt  }
0x45: {  	_ =	shalt  }
0x46: {  	_ =	shalt  }
0x47: {  	_ =	shalt  }
0x48: {  	_ =	shalt  }
0x49: {  	_ =	shalt  }
0x4a: {  	_ =	shalt  }
0x4b: {  	_ =	shalt  }
0x4c: {  	_ =	shalt  }
0x4d: {  	_ =	shalt  }
0x4e: {  	_ =	shalt  }
0x4f: {  	_ =	shalt  }
0x50: {  	_ =	shalt  }
0x51: {  	_ =	shalt  }
0x52: {  	_ =	shalt  }
0x53: {  	_ =	shalt  }
0x54: {  	_ =	shalt  }
0x55: {  	_ =	shalt  }
0x56: {  	_ =	shalt  }
0x57: {  	_ =	shalt  }
0x58: {  	_ =	shalt  }
0x59: {  	_ =	shalt  }
0x5a: {  	_ =	shalt  }
0x5b: {  	_ =	shalt  }
0x5c: {  	_ =	shalt  }
0x5d: {  	_ =	shalt  }
0x5e: {  	_ =	shalt  }
0x5f: {  	_ =	shalt  }
0x60: {  	_ =	shalt  }
0x61: {  	_ =	shalt  }
0x62: {  	_ =	shalt  }
0x63: {  	_ =	shalt  }
0x64: {  	_ =	shalt  }
0x65: {  	_ =	shalt  }
0x66: {  	_ =	shalt  }
0x67: {  	_ =	shalt  }
0x68: {  	_ =	shalt  }
0x69: {  	_ =	shalt  }
0x6a: {  	_ =	shalt  }
0x6b: {  	_ =	shalt  }
0x6c: {  	_ =	shalt  }
0x6d: {  	_ =	shalt  }
0x6e: {  	_ =	shalt  }
0x6f: {  	_ =	shalt  }
0x70: {  	_ =	shalt  }
0x71: {  	_ =	shalt  }
0x72: {  	_ =	shalt  }
0x73: {  	_ =	shalt  }
0x74: {  	_ =	shalt  }
0x75: {  	_ =	shalt  }
0x76: {  	_ =	shalt  }
0x77: {  	_ =	shalt  }
0x78: {  	_ =	shalt  }
0x79: {  	_ =	shalt  }
0x7a: {  	_ =	shalt  }
0x7b: {  	_ =	shalt  }
0x7c: {  	_ =	shalt  }
0x7d: {  	_ =	shalt  }
0x7e: {  	_ =	shalt  }
0x7f: {  	_ =	shalt  }
0x80: {  	_ =	shalt  }
0x81: {  	_ =	shalt  }
0x82: {  	_ =	shalt  }
0x83: {  	_ =	shalt  }
0x84: {  	_ =	shalt  }
0x85: {  	_ =	shalt  }
0x86: {  	_ =	shalt  }
0x87: {  	_ =	shalt  }
.Lfunc_end0:
.L_simem_size_0:
called_computation_lowered:
.L_overlay_start_0:
0x88: {  	s2 =	sld [smem:$0x3FD9]  }
0x89: {  	s3 =	sld [smem:$0x3FFE];
	_ =	sdelay $0x1  }
0x8a: {  	s1 =	srdreg.scid  }
0x8b: {  	s0 =	sand.u32 $0x1, s1  }
0x8c: {  	s14 =	sshll.u32 s0, $0xA;
	s2 =	sadd.s32 s3, s2  }
0x8d: {  	s2 =	sadd.s32 s2, s14  }
0x8e: {  	[smem:$0x3FC2] =	sst s2  }
0x8f: {  	_ = 	snop  }
0x90: {  	s2 =	sld [smem:$0x3FD0];
	_ =	sdelay $0x2  }
0x91: {  	s15 =	simm.s32 $0xA;
	s4 =	simm.s32 $0x10  }
0x92: {  	[smem:s4], [sflag:s15] =	dma.local [hbm:s2], $0x1  }
0x93: {  	_ =	swait.eq [sflag:s15], $0x1  }
0x94: {  	[sflag:s15] =	ssyncset.done $0x0  }
0x95: {  	[sflag:s15] =	ssyncadd.s32 $0xFFFFFFFF  }
0x96: {  	s16 =	sld [smem:$0x10];
	(tm) =	ssettm $0x1  }
0x97: {  	s17 =	sld [smem:$0x3FFB];
	_ =	sdelay $0x3  }
0x98: {  	_ =	strace s17  }
0x99: {  	s3 =	sld [smem:$0x3FFC];
	_ =	sdelay $0x3  }
0x9a: {  	_ =	strace s3  }
0x9b: {  	s3 =	sld [smem:$0x3FFD];
	_ =	sdelay $0x3  }
0x9c: {  	_ =	strace s3  }
0x9d: {  	_ =	strace $0x8FFFFFFF  }
0x9e: {  	s18 =	sld [smem:$0x3FDB];
	_ =	sdelay $0x1  }
0x9f: {  	s19 =	simm.s32 $_scs_section_size  }
0xa0: {  	s5 =	simm.s32 $_size__tile_overlayer_lowered;
	s6 =	simm.s32 $_tile_overlayer_lowered  }
0xa1: {  	s22 =	simm.s32 $0x1BFF;
	s21 =	sshll.u32 s6, $0x1;
	s3 =	sadd.s32 s19, s18  }
0xa2: {  	s7 =	simm.s32 $0x0;
	s20 =	sshll.u32 s5, $0x1;
	s5 =	sadd.s32 s21, s3  }
0xa3: {  	[timem:s7], [sflag:s22] =	dma.local [hbm:s5], s20  }
0xa4: {  	_ =	swait.ge [sflag:s22], s20  }
0xa5: {  	s4 =	ssub.s32 $0x0, s20;
	[sflag:s22] =	ssyncset.done $0x0  }
0xa6: {  	[sflag:s22] =	ssyncadd.s32 s4;
	_ =	sdelay $0x1  }
0xa7: {  	s23 =	simm.s32 $0x1B8B  }
0xa8: {  	_ =	swait.ge [sflag:s23], $0x1  }
0xa9: {  	[sflag:s23] =	ssyncset.done $0x0  }
0xaa: {  	s25 =	simm.s32 $0x1B8E;
	s24 =	sld [smem:$0x3FFE];
	[sflag:s23] =	ssyncadd.s32 $0xFFFFFFFF  }
0xab: {  	s26 =	simm.s32 $execute0_lowered;
	[smem:$0x3FD2] =	sst s25  }
0xac: {  	s5 =	sshll.u32 s26, $0x1;
	_ =	strace $0x80000046;
	[dreg:$0x1] =	wrdreg $0xFFFFFFFF  }
0xad: {  	s28 =	simm.s32 $_size_execute0_lowered;
	s3 =	sadd.s32 s3, s5;
	[dreg:$0x0] =	wrdreg $0x0  }
0xae: {  	s5 =	sshll.u32 s28, $0x1;
	[dreg:$0x2] =	wrdreg s3  }
0xaf: {  	[dreg:$0x3] =	wrdreg s5  }
0xb0: {  	[dreg:$0x4] =	wrdreg $0xC0  }
0xb1: {  	_ =	task [dreg:s7], $0x5FFFF  }
0xb2: {  	[dreg:$0x1] =	wrdreg $0xFFFFFFFF  }
0xb3: {  	[dreg:$0x0] =	wrdreg $0x60  }
0xb4: {  	[dreg:$0x2] =	wrdreg s24  }
0xb5: {  	[dreg:$0x3] =	wrdreg s16  }
0xb6: {  	[dreg:$0x4] =	wrdreg $0x9  }
0xb7: {  	_ =	task.clear_ibuf [dreg:s7], $0x5FFFF;
	_ =	strace $0x90000046  }
0xb8: {  	s29 =	simm.s32 $0x9;
	_ =	strace $0x80000048  }
0xb9: {  	_ =	swait.ge [sflag:s29], $0x1  }
0xba: {  	[sflag:s29] =	ssyncadd.s32 $0xFFFFFFFF  }
0xbb: {  	_ =	strace $0x90000048  }
0xbc: {  	_ =	sfence  }
0xbd: {  	s30 =	sld [smem:$0x0];
	_ =	sdelay $0x2  }
0xbe: {  	s31 =	sshll.u32 s1, $0xD;
	s1 =	sshrl.u32 s1, $0x2  }
0xbf: {  	s3 =	sand.u32 $0x4000, s31;
	s1 =	sadd.s32 s1, s30  }
0xc0: {  	s0 =	sor.u32 s3, s0;
	s1 =	sshll.u32 s1, $0x11  }
0xc1: {  	s0 =	sor.u32 s1, s0  }
0xc2: {  	s0 =	sadd.s32 $0x8F2B, s0  }
0xc3: {  	[sflag:s0] =	ssyncadd.remote.s32 $0x1  }
0xc4: {  	_ =	sfence.sel $0xFFFF  }
0xc5: {  	[dreg:$0x0] =	wrdreg $0xFFFFFFFF;
	(pc) =	sbr.abs _section_cstart, $3  }
0xc6: {  	[dreg:$0x1] =	wrdreg $0xFFFFFFFF  }
0xc7: {  	_ =	task.clear_ibuf [dreg:s7], $0x2FFFF;
	_ =	strace $0x9FFFFFFF  }
0xc8: {  	(tm) =	ssettm $0x7FFFFFFF  }
0xc9: {  	_ =	shalt  }
tec
execute0_lowered:
.L_overlay_start_1:
0x0: {  	(tag) =	ssettag $0x1  }
0x1: {  	s0 =	rddreg [dreg:$0x0]  }
0x2: {  	s1 =	rddreg [dreg:$0x1];
	s2 =	simm.s32 $0x0;
	s3 =	srdreg.scid  }
0x3: {  	s5 =	stileid.u32;
	s11 =	simm.s32 $0x2;
	s28 =	simm.s32 $0x7880  }
0x4: {  	s29 =	simm.s32 $0x8080;
	s30 =	simm.s32 $0x8880;
	s31 =	simm.s32 $0x9080  }
0x5: {  	s12 =	simm.s32 $0xA880;
	s13 =	simm.s32 $0xB880;
	s14 =	simm.s32 $0xC080  }
0x6: {  	s15 =	simm.s32 $0x0;
	s4 =	sand.u32 $0x1, s3;
	s5 =	sshll.u32 s5, $0x1  }
0x7: {  	[smem:$0x7FF] =	sst s2;
	s6 =	ssub.s32 $0x2, s4;
	s4 =	sor.u32 s4, s5  }
0x8: {  	s3 =	sadd.s32 $0x200, s0;
	_ =	strace $0x80000047;
	s8 =	smul.u32 $0xC000, s4  }
0x9: {  	s23 =	sshrl.u32 s6, $0x1;
	s7 =	sshll.u32 s4, $0x4;
	s4 =	smul.u32 $0x1800, s4  }
0xa: {  	s5 =	sadd.s32 $0x300, s0;
	s9 =	ssub.s32 s6, s23;
	s7 =	sadd.s32 s0, s7  }
0xb: {  	s6 =	sadd.s32 $0x400, s0;
	s4 =	sadd.s32 s1, s4;
	[dreg:$0x3] =	wrdreg s7  }
0xc: {  	s24 =	sshrl.u32 s8, $0x3;
	s25 =	sadd.s32 $0x8, s7;
	[dreg:$0x4] =	wrdreg s4  }
0xd: {  	s26 =	smax.u32 s9, $0x1;
	s7 =	simm.s32 $0xB080;
	[dreg:$0x5] =	wrdreg s25  }
0xe: {  	v2 =	vlaneseq.u32;
	s8 =	simm.s32 $0x1;
	s0 =	sadd.s32 s1, s24;
	[dreg:$0x7] =	wrdreg s26  }
0xf: {  	vm0 =	vmmov $0xffff;
	v1 =	vshrl.u32 v2, $0x3;
	s25 =	simm.s32 $0x6880;
	s26 =	simm.s32 $0x7080;
	s0 =	sadd.s32 $0xC00, s0  }
0x10: {  	v0 =	vand.u32 $0x7, v2;
	v2 =	vor.u32 $0x8, v2;
	v1 =	vmul.u32 $0x8, v1;
	s1 =	simm.s32 $0xA080;
	[dreg:$0x6] =	wrdreg s0;
	s0 =	simm.s32 $0x9880  }
.LBB2_1:
0x11: {  	s4 =	rddreg [dreg:$0x3]  }
0x12: {  	[tilespmem:s2], [sflag:$0x2] =	stream.linear.gather [hbm4b:s4+s2], $0x40, $0x38;
	[tilespmem:$0x12080] =	vst v63  }
0x13: {  	_ =	swait.ge [sflag:s11], $0x40  }
0x14: {  	[sflag:s11] =	ssyncset.done $0x0  }
0x15: {  	[sflag:s11] =	ssyncadd.s32 $0xFFFFFFC0  }
0x16: {  	v3 =	vld [tilespmem:$0x0];
	_ =	sdelay $0x4  }
0x17: {  	v4 =	vshrl.u32 v3, $0x3  }
0x18: {  	v4 =	vmul.u32 $0x30, v4  }
0x19: {  	v3 =	vand.u32 $0x7, v3  }
0x1a: {  	v3 =	vor.u32 v3, v4  }
0x1b: {  	v4 =	vperm.xlane v3, v0;
	_ =	sdelay $0x1  }
0x1c: {  	v4 =	vadd.s32 v1, v4;
	_ =	sdelay $0x3  }
0x1d: {  	s21 =	simm.s32 $0x80;
	v3 =	vperm.xlane v3, v2  }
0x1e: {  	[tilespmem:s21], [sflag:$0x1] =	stream.indirect_vreg.gather [hbm4b:s3+s2], $0x80, v4, vm0, $0xb8;
	[tilespmem:$0x12080] =	vst v63  }
0x1f: {  	s22 =	simm.s32 $0x880;
	v3 =	vadd.s32 v1, v3  }
0x20: {  	[tilespmem:s22], [sflag:$0x1] =	stream.indirect_vreg.gather [hbm4b:s5+s2], $0x80, v4, vm0, $0xb8;
	[tilespmem:$0x12080] =	vst v63  }
0x21: {  	s23 =	simm.s32 $0x1080  }
0x22: {  	[tilespmem:s23], [sflag:$0x1] =	stream.indirect_vreg.gather [hbm4b:s6+s2], $0x80, v4, vm0, $0xb8;
	[tilespmem:$0x12080] =	vst v63  }
0x23: {  	s24 =	simm.s32 $0x1880  }
0x24: {  	[tilespmem:s24], [sflag:$0x1] =	stream.indirect_vreg.gather [hbm4b:s3+s2], $0x80, v3, vm0, $0xb8;
	[tilespmem:$0x12080] =	vst v63  }
0x25: {  	s9 =	simm.s32 $0x2080  }
0x26: {  	[tilespmem:s9], [sflag:$0x1] =	stream.indirect_vreg.gather [hbm4b:s5+s2], $0x80, v3, vm0, $0xb8;
	[tilespmem:$0x12080] =	vst v63  }
0x27: {  	s10 =	simm.s32 $0x2880  }
0x28: {  	[tilespmem:s10], [sflag:$0x1] =	stream.indirect_vreg.gather [hbm4b:s6+s2], $0x80, v3, vm0, $0xb8;
	[tilespmem:$0x12080] =	vst v63  }
0x29: {  	v3 =	vld [tilespmem:$0x10];
	_ =	sdelay $0x4  }
0x2a: {  	v61 =	vshrl.u32 v3, $0x3  }
0x2b: {  	v4 =	vmul.u32 $0x30, v61  }
0x2c: {  	v3 =	vand.u32 $0x7, v3  }
0x2d: {  	v3 =	vor.u32 v3, v4  }
0x2e: {  	v4 =	vperm.xlane v3, v0;
	_ =	sdelay $0x1  }
0x2f: {  	v4 =	vadd.s32 v1, v4;
	_ =	sdelay $0x3  }
0x30: {  	s16 =	simm.s32 $0x3080;
	v3 =	vperm.xlane v3, v2  }
0x31: {  	[tilespmem:s16], [sflag:$0x1] =	stream.indirect_vreg.gather [hbm4b:s3+s2], $0x80, v4, vm0, $0xb8;
	[tilespmem:$0x12080] =	vst v63  }
0x32: {  	s17 =	simm.s32 $0x3880;
	v3 =	vadd.s32 v1, v3  }
0x33: {  	[tilespmem:s17], [sflag:$0x1] =	stream.indirect_vreg.gather [hbm4b:s5+s2], $0x80, v4, vm0, $0xb8;
	[tilespmem:$0x12080] =	vst v63  }
0x34: {  	s18 =	simm.s32 $0x4080  }
0x35: {  	[tilespmem:s18], [sflag:$0x1] =	stream.indirect_vreg.gather [hbm4b:s6+s2], $0x80, v4, vm0, $0xb8;
	[tilespmem:$0x12080] =	vst v63  }
0x36: {  	s19 =	simm.s32 $0x4880  }
0x37: {  	[tilespmem:s19], [sflag:$0x1] =	stream.indirect_vreg.gather [hbm4b:s3+s2], $0x80, v3, vm0, $0xb8;
	[tilespmem:$0x12080] =	vst v63  }
0x38: {  	s20 =	simm.s32 $0x5080  }
0x39: {  	[tilespmem:s20], [sflag:$0x1] =	stream.indirect_vreg.gather [hbm4b:s5+s2], $0x80, v3, vm0, $0xb8;
	[tilespmem:$0x12080] =	vst v63  }
0x3a: {  	s21 =	simm.s32 $0x5880  }
0x3b: {  	[tilespmem:s21], [sflag:$0x1] =	stream.indirect_vreg.gather [hbm4b:s6+s2], $0x80, v3, vm0, $0xb8;
	[tilespmem:$0x12080] =	vst v63  }
0x3c: {  	v3 =	vld [tilespmem:$0x20];
	_ =	sdelay $0x4  }
0x3d: {  	v62 =	vshrl.u32 v3, $0x3  }
0x3e: {  	v4 =	vmul.u32 $0x30, v62  }
0x3f: {  	v3 =	vand.u32 $0x7, v3  }
0x40: {  	v3 =	vor.u32 v3, v4  }
0x41: {  	v4 =	vperm.xlane v3, v0;
	_ =	sdelay $0x1  }
0x42: {  	v4 =	vadd.s32 v1, v4;
	_ =	sdelay $0x3  }
0x43: {  	s22 =	simm.s32 $0x6080;
	v3 =	vperm.xlane v3, v2  }
0x44: {  	[tilespmem:s22], [sflag:$0x1] =	stream.indirect_vreg.gather [hbm4b:s3+s2], $0x80, v4, vm0, $0xb8;
	[tilespmem:$0x12080] =	vst v63  }
0x45: {  	v3 =	vadd.s32 v1, v3  }
0x46: {  	[tilespmem:s25], [sflag:$0x1] =	stream.indirect_vreg.gather [hbm4b:s5+s2], $0x80, v4, vm0, $0xb8;
	[tilespmem:$0x12080] =	vst v63  }
0x47: {  	_ = 	snop  }
0x48: {  	[tilespmem:s26], [sflag:$0x1] =	stream.indirect_vreg.gather [hbm4b:s6+s2], $0x80, v4, vm0, $0xb8;
	[tilespmem:$0x12080] =	vst v63  }
0x49: {  	_ = 	snop  }
0x4a: {  	[tilespmem:s28], [sflag:$0x1] =	stream.indirect_vreg.gather [hbm4b:s3+s2], $0x80, v3, vm0, $0xb8;
	[tilespmem:$0x12080] =	vst v63  }
0x4b: {  	_ = 	snop  }
0x4c: {  	[tilespmem:s29], [sflag:$0x1] =	stream.indirect_vreg.gather [hbm4b:s5+s2], $0x80, v3, vm0, $0xb8;
	[tilespmem:$0x12080] =	vst v63  }
0x4d: {  	_ = 	snop  }
0x4e: {  	[tilespmem:s30], [sflag:$0x1] =	stream.indirect_vreg.gather [hbm4b:s6+s2], $0x80, v3, vm0, $0xb8;
	[tilespmem:$0x12080] =	vst v63  }
0x4f: {  	v3 =	vld [tilespmem:$0x30];
	_ =	sdelay $0x4  }
0x50: {  	v63 =	vshrl.u32 v3, $0x3  }
0x51: {  	v4 =	vmul.u32 $0x30, v63  }
0x52: {  	v3 =	vand.u32 $0x7, v3  }
0x53: {  	v3 =	vor.u32 v3, v4  }
0x54: {  	v4 =	vperm.xlane v3, v0;
	_ =	sdelay $0x1  }
0x55: {  	v4 =	vadd.s32 v1, v4;
	_ =	sdelay $0x3  }
0x56: {  	s19 =	smul.u32 $0xAAAB, s2;
	v3 =	vperm.xlane v3, v2  }
0x57: {  	[tilespmem:s31], [sflag:$0x1] =	stream.indirect_vreg.gather [hbm4b:s3+s2], $0x80, v4, vm0, $0xb8;
	[tilespmem:$0x12080] =	vst v63  }
0x58: {  	s23 =	sshrl.u32 s19, $0x15;
	v3 =	vadd.s32 v1, v3  }
0x59: {  	[tilespmem:s0], [sflag:$0x1] =	stream.indirect_vreg.gather [hbm4b:s5+s2], $0x80, v4, vm0, $0xb8;
	[tilespmem:$0x12080] =	vst v63  }
0x5a: {  	s17 =	simm.s32 $0x1;
	s4 =	smul.u32 $0x30, s23  }
0x5b: {  	[tilespmem:s1], [sflag:$0x1] =	stream.indirect_vreg.gather [hbm4b:s6+s2], $0x80, v4, vm0, $0xb8;
	[tilespmem:$0x12080] =	vst v63  }
0x5c: {  	s9 =	sshrl.u32 s19, $0x17;
	s16 =	sshrl.u32 s19, $0xD;
	s4 =	ssub.s32 $0x0, s4  }
0x5d: {  	[tilespmem:s12], [sflag:$0x1] =	stream.indirect_vreg.gather [hbm4b:s3+s2], $0x80, v3, vm0, $0xb8;
	[tilespmem:$0x12080] =	vst v63  }
0x5e: {  	s9 =	smul.u32 $0x6000, s9;
	s18 =	sand.u32 $0x300, s16;
	s10 =	sshll.u32 s4, $0x7  }
0x5f: {  	[tilespmem:s7], [sflag:$0x1] =	stream.indirect_vreg.gather [hbm4b:s5+s2], $0x80, v3, vm0, $0xb8;
	[tilespmem:$0x12080] =	vst v63  }
0x60: {  	s9 =	sshrl.u32 s9, $0x2;
	s4 =	sshll.u32 s4, $0x4;
	s10 =	sand.u32 $0x1C00, s10  }
0x61: {  	[tilespmem:s13], [sflag:$0x1] =	stream.indirect_vreg.gather [hbm4b:s6+s2], $0x80, v3, vm0, $0xb8;
	[tilespmem:$0x12080] =	vst v63  }
0x62: {  	s16 =	sand.u32 $0x70, s4;
	s9 =	sadd.s32 s10, s9;
	_ =	swait.ge [sflag:s8], $0xC000  }
0x63: {  	s24 =	sor.u32 s18, s9;
	s9 =	smul.u32 $0xAAAB, s17;
	[sflag:s8] =	ssyncset.done $0x0  }
0x64: {  	s18 =	simm.s32 $0x2;
	s4 =	sor.u32 s16, s24;
	[sflag:s8] =	ssyncadd.s32 $0xFFFF4000  }
.LBB2_2:
0x65: {  	p0 =	sne.s32 s18, $0x5FF  }
0x66: {  	s20 =	sshrl.u32 s9, $0x15;
	s21 =	smov.u32 s9;
	s9 =	smul.u32 $0xAAAB, s18  }
0x67: {  	v3 =	vld [tilespmem:s4+$0x100];
	s22 =	smov.u32 s17;
	s17 =	smov.u32 s18;
	s20 =	smul.u32 $0x30, s20  }
0x68: {  	v4 =	vld [tilespmem:s4+$0x80];
	s4 =	sshrl.u32 s19, $0x18;
	s19 =	sshrl.u32 s19, $0xE;
	s23 =	sshrl.u32 s21, $0x17  }
0x69: {  	s24 =	sshrl.u32 s21, $0xD;
	s4 =	smul.u32 $0x6000, s4;
	s19 =	sand.u32 $0x380, s19  }
0x6a: {  	s24 =	sand.u32 $0x300, s24;
	s20 =	ssub.s32 s22, s20;
	s22 =	smul.u32 $0x6000, s23  }
.Ltmp0:
0x6b: {  	s23 =	sshll.u32 s20, $0x7;
	s4 =	sshrl.u32 s4, $0x2;
	(pc) =	sbr.rel @p0 .LBB2_2-.Ltmp0, $4  }
0x6c: {  	s22 =	sshrl.u32 s22, $0x2;
	s4 =	sadd.s32 s10, s4;
	s10 =	sand.u32 $0x1C00, s23  }
0x6d: {  	s20 =	sshll.u32 s20, $0x4;
	s22 =	sadd.s32 s10, s22;
	v3 =	vadd.f32 v3, v4;
	s4 =	sor.u32 s19, s4  }
0x6e: {  	s19 =	sor.u32 s24, s22;
	s22 =	sor.u32 s16, s4;
	s16 =	sand.u32 $0x70, s20  }
0x6f: {  	s18 =	sadd.s32 $0x1, s18;
	s4 =	sor.u32 s16, s19;
	[tilespmem:s22+$0xC080] =	vst v3;
	s19 =	smov.u32 s21  }
0x70: {  	s18 =	sshrl.u32 s9, $0x15  }
0x71: {  	s20 =	sshrl.u32 s19, $0x18;
	v3 =	vld [tilespmem:s4+$0x100];
	s18 =	smul.u32 $0x30, s18  }
0x72: {  	v4 =	vld [tilespmem:s4+$0x80];
	s21 =	sshrl.u32 s19, $0xE;
	s20 =	smul.u32 $0x6000, s20  }
0x73: {  	s22 =	sshrl.u32 s9, $0x17;
	s4 =	sand.u32 $0x380, s21  }
0x74: {  	s17 =	ssub.s32 s17, s18;
	s23 =	sshrl.u32 s20, $0x2;
	s18 =	smul.u32 $0x6000, s22  }
0x75: {  	s20 =	sshrl.u32 s9, $0xD;
	s10 =	sadd.s32 s10, s23;
	s24 =	sshll.u32 s17, $0x7  }
0x76: {  	s17 =	sshll.u32 s17, $0x4;
	s19 =	sand.u32 $0x1C00, s24;
	s18 =	sshrl.u32 s18, $0x2  }
0x77: {  	s4 =	sor.u32 s4, s10;
	s10 =	sand.u32 $0x300, s20;
	v3 =	vadd.f32 v3, v4;
	s18 =	sadd.s32 s19, s18  }
0x78: {  	s17 =	sand.u32 $0x70, s17;
	s4 =	sor.u32 s16, s4;
	s10 =	sor.u32 s10, s18  }
0x79: {  	[tilespmem:s4+$0xC080] =	vst v3;
	s10 =	sor.u32 s17, s10  }
0x7a: {  	v3 =	vld [tilespmem:s10+$0x100]  }
0x7b: {  	s21 =	sshrl.u32 s9, $0x18;
	v59 =	vld [tilespmem:s10+$0x80]  }
0x7c: {  	s4 =	smul.u32 $0x6000, s21;
	_ =	sdelay $0x1  }
0x7d: {  	s22 =	sshrl.u32 s9, $0xE;
	s4 =	sshrl.u32 s4, $0x2  }
0x7e: {  	s9 =	sand.u32 $0x380, s22;
	s4 =	sadd.s32 s19, s4  }
0x7f: {  	s4 =	sor.u32 s9, s4;
	v3 =	vadd.f32 v3, v59  }
0x80: {  	s4 =	sor.u32 s17, s4  }
0x81: {  	s23 =	rddreg [dreg:$0x4];
	s9 =	simm.s32 $0x0;
	[tilespmem:s4+$0xC080] =	vst v3  }
0x82: {  	[hbm4b:s23+s9] =	stream.linear.scatter [tilespmem:s14], [sflag:$0x2], $0x6000, $0x38;
	[tilespmem:$0x12080] =	vst v63  }
0x83: {  	_ =	swait.ge [sflag:s11], $0x6000  }
0x84: {  	[sflag:s11] =	ssyncset.done $0x0  }
0x85: {  	s24 =	rddreg [dreg:$0x5];
	[sflag:s11] =	ssyncadd.s32 $0xFFFFA000  }
0x86: {  	[tilespmem:s9], [sflag:$0x2] =	stream.linear.gather [hbm4b:s24+s9], $0x40, $0x38;
	[tilespmem:$0x12080] =	vst v63  }
0x87: {  	_ =	swait.ge [sflag:s11], $0x40  }
0x88: {  	[sflag:s11] =	ssyncset.done $0x0  }
0x89: {  	[sflag:s11] =	ssyncadd.s32 $0xFFFFFFC0  }
0x8a: {  	v3 =	vld [tilespmem:$0x0];
	_ =	sdelay $0x4  }
0x8b: {  	v60 =	vshrl.u32 v3, $0x3  }
0x8c: {  	v4 =	vmul.u32 $0x30, v60  }
0x8d: {  	v3 =	vand.u32 $0x7, v3  }
0x8e: {  	v3 =	vor.u32 v3, v4  }
0x8f: {  	v4 =	vperm.xlane v3, v0;
	_ =	sdelay $0x1  }
0x90: {  	v4 =	vadd.s32 v1, v4;
	_ =	sdelay $0x3  }
0x91: {  	s10 =	simm.s32 $0x80;
	v3 =	vperm.xlane v3, v2  }
0x92: {  	[tilespmem:s10], [sflag:$0x1] =	stream.indirect_vreg.gather [hbm4b:s3+s9], $0x80, v4, vm0, $0xb8;
	[tilespmem:$0x12080] =	vst v63  }
0x93: {  	s16 =	simm.s32 $0x880;
	v3 =	vadd.s32 v1, v3  }
0x94: {  	[tilespmem:s16], [sflag:$0x1] =	stream.indirect_vreg.gather [hbm4b:s5+s9], $0x80, v4, vm0, $0xb8;
	[tilespmem:$0x12080] =	vst v63  }
0x95: {  	s17 =	simm.s32 $0x1080  }
0x96: {  	[tilespmem:s17], [sflag:$0x1] =	stream.indirect_vreg.gather [hbm4b:s6+s9], $0x80, v4, vm0, $0xb8;
	[tilespmem:$0x12080] =	vst v63  }
0x97: {  	s18 =	simm.s32 $0x1880  }
0x98: {  	[tilespmem:s18], [sflag:$0x1] =	stream.indirect_vreg.gather [hbm4b:s3+s9], $0x80, v3, vm0, $0xb8;
	[tilespmem:$0x12080] =	vst v63  }
0x99: {  	s19 =	simm.s32 $0x2080  }
0x9a: {  	[tilespmem:s19], [sflag:$0x1] =	stream.indirect_vreg.gather [hbm4b:s5+s9], $0x80, v3, vm0, $0xb8;
	[tilespmem:$0x12080] =	vst v63  }
0x9b: {  	s20 =	simm.s32 $0x2880  }
0x9c: {  	[tilespmem:s20], [sflag:$0x1] =	stream.indirect_vreg.gather [hbm4b:s6+s9], $0x80, v3, vm0, $0xb8;
	[tilespmem:$0x12080] =	vst v63  }
0x9d: {  	v3 =	vld [tilespmem:$0x10];
	_ =	sdelay $0x4  }
0x9e: {  	v61 =	vshrl.u32 v3, $0x3  }
0x9f: {  	v4 =	vmul.u32 $0x30, v61  }
0xa0: {  	v3 =	vand.u32 $0x7, v3  }
0xa1: {  	v3 =	vor.u32 v3, v4  }
0xa2: {  	v4 =	vperm.xlane v3, v0;
	_ =	sdelay $0x1  }
0xa3: {  	v4 =	vadd.s32 v1, v4;
	_ =	sdelay $0x3  }
0xa4: {  	s21 =	simm.s32 $0x3080;
	v3 =	vperm.xlane v3, v2  }
0xa5: {  	[tilespmem:s21], [sflag:$0x1] =	stream.indirect_vreg.gather [hbm4b:s3+s9], $0x80, v4, vm0, $0xb8;
	[tilespmem:$0x12080] =	vst v63  }
0xa6: {  	s22 =	simm.s32 $0x3880;
	v3 =	vadd.s32 v1, v3  }
0xa7: {  	[tilespmem:s22], [sflag:$0x1] =	stream.indirect_vreg.gather [hbm4b:s5+s9], $0x80, v4, vm0, $0xb8;
	[tilespmem:$0x12080] =	vst v63  }
0xa8: {  	s23 =	simm.s32 $0x4080  }
0xa9: {  	[tilespmem:s23], [sflag:$0x1] =	stream.indirect_vreg.gather [hbm4b:s6+s9], $0x80, v4, vm0, $0xb8;
	[tilespmem:$0x12080] =	vst v63  }
0xaa: {  	s24 =	simm.s32 $0x4880  }
0xab: {  	[tilespmem:s24], [sflag:$0x1] =	stream.indirect_vreg.gather [hbm4b:s3+s9], $0x80, v3, vm0, $0xb8;
	[tilespmem:$0x12080] =	vst v63  }
0xac: {  	s10 =	simm.s32 $0x5080  }
0xad: {  	[tilespmem:s10], [sflag:$0x1] =	stream.indirect_vreg.gather [hbm4b:s5+s9], $0x80, v3, vm0, $0xb8;
	[tilespmem:$0x12080] =	vst v63  }
0xae: {  	s16 =	simm.s32 $0x5880  }
0xaf: {  	[tilespmem:s16], [sflag:$0x1] =	stream.indirect_vreg.gather [hbm4b:s6+s9], $0x80, v3, vm0, $0xb8;
	[tilespmem:$0x12080] =	vst v63  }
0xb0: {  	v3 =	vld [tilespmem:$0x20];
	_ =	sdelay $0x4  }
0xb1: {  	v62 =	vshrl.u32 v3, $0x3  }
0xb2: {  	v4 =	vmul.u32 $0x30, v62  }
0xb3: {  	v3 =	vand.u32 $0x7, v3  }
0xb4: {  	v3 =	vor.u32 v3, v4  }
0xb5: {  	v4 =	vperm.xlane v3, v0;
	_ =	sdelay $0x1  }
0xb6: {  	v4 =	vadd.s32 v1, v4;
	_ =	sdelay $0x3  }
0xb7: {  	s17 =	simm.s32 $0x6080;
	v3 =	vperm.xlane v3, v2  }
0xb8: {  	[tilespmem:s17], [sflag:$0x1] =	stream.indirect_vreg.gather [hbm4b:s3+s9], $0x80, v4, vm0, $0xb8;
	[tilespmem:$0x12080] =	vst v63  }
0xb9: {  	v3 =	vadd.s32 v1, v3  }
0xba: {  	[tilespmem:s25], [sflag:$0x1] =	stream.indirect_vreg.gather [hbm4b:s5+s9], $0x80, v4, vm0, $0xb8;
	[tilespmem:$0x12080] =	vst v63  }
0xbb: {  	_ = 	snop  }
0xbc: {  	[tilespmem:s26], [sflag:$0x1] =	stream.indirect_vreg.gather [hbm4b:s6+s9], $0x80, v4, vm0, $0xb8;
	[tilespmem:$0x12080] =	vst v63  }
0xbd: {  	_ = 	snop  }
0xbe: {  	[tilespmem:s28], [sflag:$0x1] =	stream.indirect_vreg.gather [hbm4b:s3+s9], $0x80, v3, vm0, $0xb8;
	[tilespmem:$0x12080] =	vst v63  }
0xbf: {  	_ = 	snop  }
0xc0: {  	[tilespmem:s29], [sflag:$0x1] =	stream.indirect_vreg.gather [hbm4b:s5+s9], $0x80, v3, vm0, $0xb8;
	[tilespmem:$0x12080] =	vst v63  }
0xc1: {  	_ = 	snop  }
0xc2: {  	[tilespmem:s30], [sflag:$0x1] =	stream.indirect_vreg.gather [hbm4b:s6+s9], $0x80, v3, vm0, $0xb8;
	[tilespmem:$0x12080] =	vst v63  }
0xc3: {  	v3 =	vld [tilespmem:$0x30];
	_ =	sdelay $0x4  }
0xc4: {  	v63 =	vshrl.u32 v3, $0x3  }
0xc5: {  	v4 =	vmul.u32 $0x30, v63  }
0xc6: {  	v3 =	vand.u32 $0x7, v3  }
0xc7: {  	v3 =	vor.u32 v3, v4  }
0xc8: {  	v4 =	vperm.xlane v3, v0;
	_ =	sdelay $0x1  }
0xc9: {  	v4 =	vadd.s32 v1, v4;
	_ =	sdelay $0x3  }
0xca: {  	v3 =	vperm.xlane v3, v2  }
0xcb: {  	[tilespmem:s31], [sflag:$0x1] =	stream.indirect_vreg.gather [hbm4b:s3+s9], $0x80, v4, vm0, $0xb8;
	[tilespmem:$0x12080] =	vst v63  }
0xcc: {  	v3 =	vadd.s32 v1, v3  }
0xcd: {  	[tilespmem:s0], [sflag:$0x1] =	stream.indirect_vreg.gather [hbm4b:s5+s9], $0x80, v4, vm0, $0xb8;
	[tilespmem:$0x12080] =	vst v63  }
0xce: {  	_ = 	snop  }
0xcf: {  	[tilespmem:s1], [sflag:$0x1] =	stream.indirect_vreg.gather [hbm4b:s6+s9], $0x80, v4, vm0, $0xb8;
	[tilespmem:$0x12080] =	vst v63  }
0xd0: {  	s19 =	smul.u32 $0xAAAB, s9  }
0xd1: {  	[tilespmem:s12], [sflag:$0x1] =	stream.indirect_vreg.gather [hbm4b:s3+s9], $0x80, v3, vm0, $0xb8;
	[tilespmem:$0x12080] =	vst v63  }
0xd2: {  	s18 =	sshrl.u32 s19, $0x15  }
0xd3: {  	[tilespmem:s7], [sflag:$0x1] =	stream.indirect_vreg.gather [hbm4b:s5+s9], $0x80, v3, vm0, $0xb8;
	[tilespmem:$0x12080] =	vst v63  }
0xd4: {  	s20 =	sshrl.u32 s19, $0x17;
	s4 =	smul.u32 $0x30, s18  }
0xd5: {  	[tilespmem:s13], [sflag:$0x1] =	stream.indirect_vreg.gather [hbm4b:s6+s9], $0x80, v3, vm0, $0xb8;
	[tilespmem:$0x12080] =	vst v63  }
0xd6: {  	s18 =	simm.s32 $0x2;
	s4 =	ssub.s32 $0x0, s4;
	s9 =	smul.u32 $0x6000, s20  }
0xd7: {  	s21 =	sshll.u32 s4, $0x7;
	s4 =	sshll.u32 s4, $0x4;
	s22 =	sshrl.u32 s19, $0xD  }
0xd8: {  	s23 =	sand.u32 $0x300, s22;
	s10 =	sand.u32 $0x1C00, s21;
	s9 =	sshrl.u32 s9, $0x2  }
0xd9: {  	s16 =	sand.u32 $0x70, s4;
	_ =	swait.ge [sflag:s8], $0xC000;
	s9 =	sadd.s32 s10, s9  }
0xda: {  	s17 =	simm.s32 $0x1;
	[sflag:s8] =	ssyncset.done $0x0;
	s24 =	sor.u32 s23, s9  }
0xdb: {  	[sflag:s8] =	ssyncadd.s32 $0xFFFF4000;
	s9 =	smul.u32 $0xAAAB, s17;
	s4 =	sor.u32 s16, s24  }
.LBB2_4:
0xdc: {  	p0 =	sne.s32 s18, $0x5FF  }
0xdd: {  	s20 =	sshrl.u32 s9, $0x15;
	s21 =	smov.u32 s9;
	s9 =	smul.u32 $0xAAAB, s18  }
0xde: {  	v3 =	vld [tilespmem:s4+$0x100];
	s22 =	smov.u32 s17;
	s17 =	smov.u32 s18;
	s20 =	smul.u32 $0x30, s20  }
0xdf: {  	v4 =	vld [tilespmem:s4+$0x80];
	s4 =	sshrl.u32 s19, $0x18;
	s19 =	sshrl.u32 s19, $0xE;
	s23 =	sshrl.u32 s21, $0x17  }
0xe0: {  	s24 =	sshrl.u32 s21, $0xD;
	s4 =	smul.u32 $0x6000, s4;
	s19 =	sand.u32 $0x380, s19  }
0xe1: {  	s24 =	sand.u32 $0x300, s24;
	s20 =	ssub.s32 s22, s20;
	s22 =	smul.u32 $0x6000, s23  }
.Ltmp1:
0xe2: {  	s23 =	sshll.u32 s20, $0x7;
	s4 =	sshrl.u32 s4, $0x2;
	(pc) =	sbr.rel @p0 .LBB2_4-.Ltmp1, $4  }
0xe3: {  	s22 =	sshrl.u32 s22, $0x2;
	s4 =	sadd.s32 s10, s4;
	s10 =	sand.u32 $0x1C00, s23  }
0xe4: {  	s20 =	sshll.u32 s20, $0x4;
	s22 =	sadd.s32 s10, s22;
	v3 =	vadd.f32 v3, v4;
	s4 =	sor.u32 s19, s4  }
0xe5: {  	s19 =	sor.u32 s24, s22;
	s22 =	sor.u32 s16, s4;
	s16 =	sand.u32 $0x70, s20  }
0xe6: {  	s18 =	sadd.s32 $0x1, s18;
	s4 =	sor.u32 s16, s19;
	[tilespmem:s22+$0xC080] =	vst v3;
	s19 =	smov.u32 s21  }
0xe7: {  	s18 =	sshrl.u32 s9, $0x15;
	v3 =	vld [tilespmem:s4+$0x100]  }
0xe8: {  	v4 =	vld [tilespmem:s4+$0x80];
	s24 =	sshrl.u32 s19, $0x18;
	s22 =	sshrl.u32 s19, $0xE;
	s18 =	smul.u32 $0x30, s18  }
0xe9: {  	s20 =	sshrl.u32 s9, $0x17;
	s21 =	sshrl.u32 s9, $0xD;
	s4 =	smul.u32 $0x6000, s24  }
0xea: {  	s23 =	smul.u32 $0x6000, s20;
	s19 =	sand.u32 $0x380, s22;
	s17 =	ssub.s32 s17, s18  }
0xeb: {  	s21 =	sand.u32 $0x300, s21;
	s4 =	sshrl.u32 s4, $0x2;
	s24 =	sshll.u32 s17, $0x7  }
0xec: {  	s18 =	sshrl.u32 s23, $0x2;
	s4 =	sadd.s32 s10, s4;
	s20 =	sand.u32 $0x1C00, s24  }
0xed: {  	s17 =	sshll.u32 s17, $0x4;
	v3 =	vadd.f32 v3, v4;
	s4 =	sor.u32 s19, s4;
	s18 =	sadd.s32 s20, s18  }
0xee: {  	s10 =	sand.u32 $0x70, s17;
	s4 =	sor.u32 s16, s4;
	s17 =	sor.u32 s21, s18  }
0xef: {  	[tilespmem:s4+$0xC080] =	vst v3;
	s19 =	sor.u32 s10, s17  }
0xf0: {  	v3 =	vld [tilespmem:s19+$0x100]  }
0xf1: {  	s21 =	sshrl.u32 s9, $0x18;
	v63 =	vld [tilespmem:s19+$0x80]  }
0xf2: {  	s4 =	smul.u32 $0x6000, s21;
	_ =	sdelay $0x1  }
0xf3: {  	s22 =	sshrl.u32 s9, $0xE;
	s4 =	sshrl.u32 s4, $0x2  }
0xf4: {  	s9 =	sand.u32 $0x380, s22;
	s4 =	sadd.s32 s20, s4  }
0xf5: {  	s4 =	sor.u32 s9, s4;
	v3 =	vadd.f32 v3, v63  }
0xf6: {  	s4 =	sor.u32 s10, s4  }
0xf7: {  	s23 =	rddreg [dreg:$0x6];
	[tilespmem:s4+$0xC080] =	vst v3  }
0xf8: {  	[hbm4b:s23+s2] =	stream.linear.scatter [tilespmem:s14], [sflag:$0x2], $0x6000, $0x38;
	[tilespmem:$0x12080] =	vst v63  }
0xf9: {  	_ =	swait.ge [sflag:s11], $0x6000  }
0xfa: {  	s15 =	sadd.s32 $0x1, s15;
	s24 =	rddreg [dreg:$0x7]  }
0xfb: {  	p0 =	sne.s32 s15, s24  }
.Ltmp2:
0xfc: {  	_ = 	snop;
	(pc) =	sbr.rel @p0 .LBB2_1-.Ltmp2, $3  }
0xfd: {  	_ =	sdelay $0x1  }
0xfe: {  	[sflag:s11] =	ssyncset.done $0x0  }
0xff: {  	[sflag:s11] =	ssyncadd.s32 $0xFFFFA000  }
0x100: {  	_ =	sfence.sel $0x180000  }
0x101: {  	[bflag:$0x0] =	sbarrier.arrive $0xFFFF  }
0x102: {  	_ =	strace $0x90000047  }
0x103: {  	s0 =	stileid.u32;
	[bflag:$0x2] =	sbarrier.arrive $0xFFFF  }
0x104: {  	p0 =	sne.s32 s0, $0x0;
	s0 =	rddreg [dreg:$0x2]  }
0x105: {  	s0 =	sadd.s32 @!p0 $0x100000, s0  }
0x106: {  	[sflag:s0] =	ssyncadd.tile.s32 @!p0 $0x1;
	_ =	shalt  }
.Lfunc_end2:
_tile_overlayer_lowered:
.L_overlay_start_2:
0x107: {  	(tag) =	ssettag $0x2  }
0x108: {  	s0 =	rddreg [dreg:$0x0];
	s2 =	stileid.u32  }
0x109: {  	s1 =	rddreg [dreg:$0x1];
	p0 =	sne.s32 s2, $0x0  }
0x10a: {  	s3 =	rddreg [dreg:$0x2];
	[bflag:$0x3] =	sbarrier.arrive $0xFFFF;
	s2 =	simm.s32 @!p0 $0x1C02  }
0x10b: {  	[timem:s3], [sflag:s2] =	dma.local @!p0 [hbm:s0], s1  }
0x10c: {  	s0 =	simm.s32 @!p0 $0x2  }
0x10d: {  	_ =	swait.ge @!p0 [sflag:s0], s1  }
0x10e: {  	s1 =	ssub.s32 @!p0 $0x0, s1;
	[sflag:s0] =	ssyncset.done @!p0 $0x0  }
0x10f: {  	[sflag:s0] =	ssyncadd.s32 @!p0 s1  }
0x110: {  	[bflag:$0x3] =	sbarrier.arrive $0xFFFF  }
0x111: {  	_ =	shalt  }

</sc_bundles>
